<compile_context>
chip_gen: v7x
topology: tpu7x:2x2x1
jax: 0.10.2.dev20260603
libtpu: 0.0.44.dev20260713+nightly
codegen_flags: <defaults>
</compile_context>

<pallas_src>
import functools

import jax
import jax.numpy as jnp
from jax import lax
from jax.experimental import pallas as pl
from jax.experimental.pallas import tpu as pltpu
from jax.experimental.pallas import tpu_sc as plsc

BATCH = 1024
HIST = 200
EMBED = 128

NC = 2
NS = 16
NW = NC * NS
N = BATCH * HIST
CHUNK = 128
NCH = N // (NW * CHUNK)
NBUF = 5
GA = 2
NGRP = NCH // NBUF

_mesh = plsc.VectorSubcoreMesh(core_axis_name="c", subcore_axis_name="s")


@functools.partial(
    pl.kernel,
    out_type=jax.ShapeDtypeStruct((NW, NCH, CHUNK, EMBED), jnp.float32),
    mesh=_mesh,
    scratch_types=[
        pltpu.VMEM((NCH, CHUNK), jnp.int32),
        [pltpu.VMEM((CHUNK, EMBED), jnp.float32) for _ in range(NBUF)],
        [pltpu.SemaphoreType.DMA for _ in range(NBUF)],
        [pltpu.SemaphoreType.DMA for _ in range(NBUF)],
    ],
)
def _gather_kernel(idx_hbm, table_hbm, out_hbm, idx_v, bufs, gsems, wsems):
    wid = lax.axis_index("s") * NC + lax.axis_index("c")
    pltpu.sync_copy(idx_hbm.at[wid], idx_v)
    out_w = out_hbm.at[wid]

    def gather_start(j, b):
        pltpu.async_copy(table_hbm.at[idx_v.at[j]], bufs[b], gsems[b])

    def gather_wait(j, b):
        pltpu.make_async_copy(table_hbm.at[idx_v.at[j]], bufs[b], gsems[b]).wait()

    def wb_start(j, b):
        pltpu.async_copy(bufs[b], out_w.at[j], wsems[b])

    def wb_wait(j, b):
        pltpu.make_async_copy(bufs[b], out_w.at[j], wsems[b]).wait()

    for b in range(GA):
        gather_start(b, b)

    for j in range(NBUF):
        b = j
        gather_wait(j, b)
        wb_start(j, b)
        bn = (j + GA) % NBUF
        if j >= NBUF - GA:
            wb_wait(j - (NBUF - GA), bn)
        gather_start(j + GA, bn)

    def outer(i, carry):
        for b in range(NBUF):
            j = i * NBUF + b
            gather_wait(j, b)
            wb_start(j, b)
            bn = (b + GA) % NBUF
            wb_wait(j - (NBUF - GA), bn)

            @pl.when(j + GA < NCH)
            def _():
                gather_start(j + GA, bn)

        return carry

    lax.fori_loop(1, NGRP, outer, 0)

    for j in range(NCH - (NBUF - GA), NCH):
        wb_wait(j, j % NBUF)


def kernel(input, table):
    idx = input.reshape(NW, NCH, CHUNK).astype(jnp.int32)
    out = _gather_kernel(idx, table)
    return out.reshape(BATCH, HIST, EMBED)

# --- scband reference (transcript-rebuilt; emitter-appended) ---
"""Pipeline reference for scband-embedding-layer-43404939494235 (READ-ONLY COPY).

The authoritative reference and input builder live on the scoring server;
editing this copy changes nothing except your own understanding.
"""

import jax, jax.numpy as jnp
import numpy as np

VOCAB = 100000
EMBED_DIM = 128
BATCH = 1024
HIST = 200

def setup_inputs(seed: int = 0) -> dict:
    key = jax.random.key(seed)
    k_idx, k_tab = jax.random.split(key)
    indices = jax.random.randint(k_idx, (BATCH, HIST), 0, VOCAB, dtype=jnp.int64 if jax.config.jax_enable_x64 else jnp.int32)
    table = jax.random.normal(k_tab, (VOCAB, EMBED_DIM), dtype=jnp.float32)
    return {"input": indices, "table": table}

def reference(input, table):
    # nn.Embedding.from_pretrained lookup (frozen table)
    embedded_words = jnp.take(table, input, axis=0)
    # Dropout in inference mode is identity (training=False);
    # the stochastic mask is a no-op for the deterministic reference.
    final_embeddings = embedded_words
    return final_embeddings

if __name__ == "__main__":
    import jax
    _d = setup_inputs()
    print(jax.jit(kernel)(*tuple(_d.values())))

</pallas_src>

<mosaic_0001>
#map = affine_map<(d0, d1) -> (0, 0, 0)>
#map1 = affine_map<(d0, d1) -> (0, 0)>
#map2 = affine_map<(d0, d1) -> (0, 0, 0, 0)>
module attributes {stable_mosaic.version = 14 : i64} {
  func.func @_gather_kernel(%arg0: i32, %arg1: i32, %arg2: memref<32x50x128xi32, #tpu.memory_space<hbm>>, %arg3: memref<100000x128xf32, #tpu.memory_space<hbm>>, %arg4: memref<32x50x128x128xf32, #tpu.memory_space<hbm>>, %arg5: memref<50x128xi32, #tpu.memory_space<vmem>>, %arg6: memref<128x128xf32, #tpu.memory_space<vmem>>, %arg7: memref<128x128xf32, #tpu.memory_space<vmem>>, %arg8: memref<128x128xf32, #tpu.memory_space<vmem>>, %arg9: memref<128x128xf32, #tpu.memory_space<vmem>>, %arg10: memref<128x128xf32, #tpu.memory_space<vmem>>, %arg11: memref<!tpu.dma_semaphore, #tpu.memory_space<semaphore_mem>>, %arg12: memref<!tpu.dma_semaphore, #tpu.memory_space<semaphore_mem>>, %arg13: memref<!tpu.dma_semaphore, #tpu.memory_space<semaphore_mem>>, %arg14: memref<!tpu.dma_semaphore, #tpu.memory_space<semaphore_mem>>, %arg15: memref<!tpu.dma_semaphore, #tpu.memory_space<semaphore_mem>>, %arg16: memref<!tpu.dma_semaphore, #tpu.memory_space<semaphore_mem>>, %arg17: memref<!tpu.dma_semaphore, #tpu.memory_space<semaphore_mem>>, %arg18: memref<!tpu.dma_semaphore, #tpu.memory_space<semaphore_mem>>, %arg19: memref<!tpu.dma_semaphore, #tpu.memory_space<semaphore_mem>>, %arg20: memref<!tpu.dma_semaphore, #tpu.memory_space<semaphore_mem>>) attributes {dimension_semantics = [#tpu.dimension_semantics<core_parallel>, #tpu.dimension_semantics<subcore_parallel>], iteration_bounds = array<i64: 2, 16>, scalar_prefetch = 0 : i64, scratch_operands = 16 : i64, tpu.core_type = #tpu.core_type<sc_vector_subcore>, window_params = [{transform_indices = #map}, {transform_indices = #map1}, {transform_indices = #map2}]} {
    %mul3A = arith.constant 2 : i32
    %mul3A_0 = arith.muli %arg1, %mul3A : i32
    %add3A = arith.addi %mul3A_0, %arg0 : i32
    "tpu.region"() ({
      %run_scoped3A = tpu.sem_alloc : memref<!tpu.dma_semaphore, #tpu.memory_space<semaphore_mem>>
      %dma_start3A_278 = arith.constant 0 : i32
      %dma_start3A_279 = arith.constant 0 : i32
      %dma_start3A_280 = tpu.memref_slice %arg2[%add3A, %dma_start3A_278, %dma_start3A_279] : memref<32x50x128xi32, #tpu.memory_space<hbm>> -> memref<1x50x128xi32, #tpu.memory_space<hbm>>
      %dma_start3A_281 = tpu.memref_squeeze %dma_start3A_280 : memref<1x50x128xi32, #tpu.memory_space<hbm>> -> memref<50x128xi32, #tpu.memory_space<hbm>>
      %dma_start3A_282 = arith.constant 0 : i32
      %dma_start3A_283 = arith.constant 0 : i32
      %dma_start3A_284 = tpu.memref_slice %arg2[%add3A, %dma_start3A_282, %dma_start3A_283] : memref<32x50x128xi32, #tpu.memory_space<hbm>> -> memref<1x50x128xi32, #tpu.memory_space<hbm>>
      %dma_start3A_285 = tpu.memref_squeeze %dma_start3A_284 : memref<1x50x128xi32, #tpu.memory_space<hbm>> -> memref<50x128xi32, #tpu.memory_space<hbm>>
      tpu.enqueue_dma source(%dma_start3A_285 : memref<50x128xi32, #tpu.memory_space<hbm>>) target(%arg5 : memref<50x128xi32, #tpu.memory_space<vmem>>) target_semaphore(%run_scoped3A : memref<!tpu.dma_semaphore, #tpu.memory_space<semaphore_mem>>)
      %dma_wait3A_286 = arith.constant 0 : i32
      %dma_wait3A_287 = arith.constant 0 : i32
      %dma_wait3A_288 = tpu.memref_slice %arg2[%add3A, %dma_wait3A_286, %dma_wait3A_287] : memref<32x50x128xi32, #tpu.memory_space<hbm>> -> memref<1x50x128xi32, #tpu.memory_space<hbm>>
      %dma_wait3A_289 = tpu.memref_squeeze %dma_wait3A_288 : memref<1x50x128xi32, #tpu.memory_space<hbm>> -> memref<50x128xi32, #tpu.memory_space<hbm>>
      %dma_wait3A_290 = arith.constant 0 : i32
      %dma_wait3A_291 = arith.constant 0 : i32
      %dma_wait3A_292 = tpu.memref_slice %arg2[%add3A, %dma_wait3A_290, %dma_wait3A_291] : memref<32x50x128xi32, #tpu.memory_space<hbm>> -> memref<1x50x128xi32, #tpu.memory_space<hbm>>
      %dma_wait3A_293 = tpu.memref_squeeze %dma_wait3A_292 : memref<1x50x128xi32, #tpu.memory_space<hbm>> -> memref<50x128xi32, #tpu.memory_space<hbm>>
      tpu.wait_dma2 semaphore(%run_scoped3A : memref<!tpu.dma_semaphore, #tpu.memory_space<semaphore_mem>>) src(%dma_wait3A_293 : memref<50x128xi32, #tpu.memory_space<hbm>>) dst(%arg5 : memref<50x128xi32, #tpu.memory_space<vmem>>)
      tpu.yield
    }) : () -> ()
    %dma_start3A = arith.constant 0 : i32
    %dma_start3A_1 = arith.constant 0 : i32
    %dma_start3A_2 = tpu.memref_slice %arg5[%dma_start3A, %dma_start3A_1] : memref<50x128xi32, #tpu.memory_space<vmem>> -> memref<1x128xi32, #tpu.memory_space<vmem>>
    %dma_start3A_3 = tpu.memref_squeeze %dma_start3A_2 : memref<1x128xi32, #tpu.memory_space<vmem>> -> memref<128xi32, #tpu.memory_space<vmem>>
    %dma_start3A_4 = arith.constant 0 : i32
    %dma_start3A_5 = arith.constant 0 : i32
    %dma_start3A_6 = tpu.memref_slice %arg3[%dma_start3A_4, %dma_start3A_5] : memref<100000x128xf32, #tpu.memory_space<hbm>> -> memref<100000x128xf32, #tpu.memory_space<hbm>>
    tpu.enqueue_indirect_dma source(%dma_start3A_6 : memref<100000x128xf32, #tpu.memory_space<hbm>>) target(%arg6 : memref<128x128xf32, #tpu.memory_space<vmem>>) offsets(%dma_start3A_3 : memref<128xi32, #tpu.memory_space<vmem>>) semaphore(%arg11 : memref<!tpu.dma_semaphore, #tpu.memory_space<semaphore_mem>>)
    %dma_start3A_7 = arith.constant 1 : i32
    %dma_start3A_8 = arith.constant 0 : i32
    %dma_start3A_9 = tpu.memref_slice %arg5[%dma_start3A_7, %dma_start3A_8] : memref<50x128xi32, #tpu.memory_space<vmem>> -> memref<1x128xi32, #tpu.memory_space<vmem>>
    %dma_start3A_10 = tpu.memref_squeeze %dma_start3A_9 : memref<1x128xi32, #tpu.memory_space<vmem>> -> memref<128xi32, #tpu.memory_space<vmem>>
    %dma_start3A_11 = arith.constant 0 : i32
    %dma_start3A_12 = arith.constant 0 : i32
    %dma_start3A_13 = tpu.memref_slice %arg3[%dma_start3A_11, %dma_start3A_12] : memref<100000x128xf32, #tpu.memory_space<hbm>> -> memref<100000x128xf32, #tpu.memory_space<hbm>>
    tpu.enqueue_indirect_dma source(%dma_start3A_13 : memref<100000x128xf32, #tpu.memory_space<hbm>>) target(%arg7 : memref<128x128xf32, #tpu.memory_space<vmem>>) offsets(%dma_start3A_10 : memref<128xi32, #tpu.memory_space<vmem>>) semaphore(%arg12 : memref<!tpu.dma_semaphore, #tpu.memory_space<semaphore_mem>>)
    %dma_wait3A = arith.constant 0 : i32
    %dma_wait3A_14 = arith.constant 0 : i32
    %dma_wait3A_15 = tpu.memref_slice %arg5[%dma_wait3A, %dma_wait3A_14] : memref<50x128xi32, #tpu.memory_space<vmem>> -> memref<1x128xi32, #tpu.memory_space<vmem>>
    %dma_wait3A_16 = tpu.memref_squeeze %dma_wait3A_15 : memref<1x128xi32, #tpu.memory_space<vmem>> -> memref<128xi32, #tpu.memory_space<vmem>>
    %dma_wait3A_17 = arith.constant 0 : i32
    %dma_wait3A_18 = arith.constant 0 : i32
    %dma_wait3A_19 = tpu.memref_slice %arg3[%dma_wait3A_17, %dma_wait3A_18] : memref<100000x128xf32, #tpu.memory_space<hbm>> -> memref<100000x128xf32, #tpu.memory_space<hbm>>
    tpu.wait_indirect_dma semaphore(%arg11 : memref<!tpu.dma_semaphore, #tpu.memory_space<semaphore_mem>>) src(%dma_wait3A_19 : memref<100000x128xf32, #tpu.memory_space<hbm>>) dst(%arg6 : memref<128x128xf32, #tpu.memory_space<vmem>>)
    %dma_start3A_20 = arith.constant 0 : i32
    %dma_start3A_21 = arith.constant 0 : i32
    %dma_start3A_22 = arith.constant 0 : i32
    %dma_start3A_23 = arith.constant 0 : i32
    %dma_start3A_24 = tpu.memref_slice %arg4[%add3A, %dma_start3A_21, %dma_start3A_22, %dma_start3A_23] : memref<32x50x128x128xf32, #tpu.memory_space<hbm>> -> memref<1x50x128x128xf32, #tpu.memory_space<hbm>>
    %dma_start3A_25 = tpu.memref_squeeze %dma_start3A_24 : memref<1x50x128x128xf32, #tpu.memory_space<hbm>> -> memref<50x128x128xf32, #tpu.memory_space<hbm>>
    %dma_start3A_26 = arith.constant 0 : i32
    %dma_start3A_27 = arith.constant 0 : i32
    %dma_start3A_28 = tpu.memref_slice %dma_start3A_25[%dma_start3A_20, %dma_start3A_26, %dma_start3A_27] : memref<50x128x128xf32, #tpu.memory_space<hbm>> -> memref<1x128x128xf32, #tpu.memory_space<hbm>>
    %dma_start3A_29 = tpu.memref_squeeze %dma_start3A_28 : memref<1x128x128xf32, #tpu.memory_space<hbm>> -> memref<128x128xf32, #tpu.memory_space<hbm>>
    %dma_start3A_30 = arith.constant 0 : i32
    %dma_start3A_31 = arith.constant 0 : i32
    %dma_start3A_32 = arith.constant 0 : i32
    %dma_start3A_33 = tpu.memref_slice %arg4[%add3A, %dma_start3A_30, %dma_start3A_31, %dma_start3A_32] : memref<32x50x128x128xf32, #tpu.memory_space<hbm>> -> memref<1x50x128x128xf32, #tpu.memory_space<hbm>>
    %dma_start3A_34 = tpu.memref_squeeze %dma_start3A_33 : memref<1x50x128x128xf32, #tpu.memory_space<hbm>> -> memref<50x128x128xf32, #tpu.memory_space<hbm>>
    %dma_start3A_35 = arith.constant 0 : i32
    %dma_start3A_36 = arith.constant 0 : i32
    %dma_start3A_37 = tpu.memref_slice %dma_start3A_34[%dma_start3A_20, %dma_start3A_35, %dma_start3A_36] : memref<50x128x128xf32, #tpu.memory_space<hbm>> -> memref<1x128x128xf32, #tpu.memory_space<hbm>>
    %dma_start3A_38 = tpu.memref_squeeze %dma_start3A_37 : memref<1x128x128xf32, #tpu.memory_space<hbm>> -> memref<128x128xf32, #tpu.memory_space<hbm>>
    tpu.enqueue_dma source(%arg6 : memref<128x128xf32, #tpu.memory_space<vmem>>) target(%dma_start3A_38 : memref<128x128xf32, #tpu.memory_space<hbm>>) target_semaphore(%arg16 : memref<!tpu.dma_semaphore, #tpu.memory_space<semaphore_mem>>)
    %dma_start3A_39 = arith.constant 2 : i32
    %dma_start3A_40 = arith.constant 0 : i32
    %dma_start3A_41 = tpu.memref_slice %arg5[%dma_start3A_39, %dma_start3A_40] : memref<50x128xi32, #tpu.memory_space<vmem>> -> memref<1x128xi32, #tpu.memory_space<vmem>>
    %dma_start3A_42 = tpu.memref_squeeze %dma_start3A_41 : memref<1x128xi32, #tpu.memory_space<vmem>> -> memref<128xi32, #tpu.memory_space<vmem>>
    %dma_start3A_43 = arith.constant 0 : i32
    %dma_start3A_44 = arith.constant 0 : i32
    %dma_start3A_45 = tpu.memref_slice %arg3[%dma_start3A_43, %dma_start3A_44] : memref<100000x128xf32, #tpu.memory_space<hbm>> -> memref<100000x128xf32, #tpu.memory_space<hbm>>
    tpu.enqueue_indirect_dma source(%dma_start3A_45 : memref<100000x128xf32, #tpu.memory_space<hbm>>) target(%arg8 : memref<128x128xf32, #tpu.memory_space<vmem>>) offsets(%dma_start3A_42 : memref<128xi32, #tpu.memory_space<vmem>>) semaphore(%arg13 : memref<!tpu.dma_semaphore, #tpu.memory_space<semaphore_mem>>)
    %dma_wait3A_46 = arith.constant 1 : i32
    %dma_wait3A_47 = arith.constant 0 : i32
    %dma_wait3A_48 = tpu.memref_slice %arg5[%dma_wait3A_46, %dma_wait3A_47] : memref<50x128xi32, #tpu.memory_space<vmem>> -> memref<1x128xi32, #tpu.memory_space<vmem>>
    %dma_wait3A_49 = tpu.memref_squeeze %dma_wait3A_48 : memref<1x128xi32, #tpu.memory_space<vmem>> -> memref<128xi32, #tpu.memory_space<vmem>>
    %dma_wait3A_50 = arith.constant 0 : i32
    %dma_wait3A_51 = arith.constant 0 : i32
    %dma_wait3A_52 = tpu.memref_slice %arg3[%dma_wait3A_50, %dma_wait3A_51] : memref<100000x128xf32, #tpu.memory_space<hbm>> -> memref<100000x128xf32, #tpu.memory_space<hbm>>
    tpu.wait_indirect_dma semaphore(%arg12 : memref<!tpu.dma_semaphore, #tpu.memory_space<semaphore_mem>>) src(%dma_wait3A_52 : memref<100000x128xf32, #tpu.memory_space<hbm>>) dst(%arg7 : memref<128x128xf32, #tpu.memory_space<vmem>>)
    %dma_start3A_53 = arith.constant 1 : i32
    %dma_start3A_54 = arith.constant 0 : i32
    %dma_start3A_55 = arith.constant 0 : i32
    %dma_start3A_56 = arith.constant 0 : i32
    %dma_start3A_57 = tpu.memref_slice %arg4[%add3A, %dma_start3A_54, %dma_start3A_55, %dma_start3A_56] : memref<32x50x128x128xf32, #tpu.memory_space<hbm>> -> memref<1x50x128x128xf32, #tpu.memory_space<hbm>>
    %dma_start3A_58 = tpu.memref_squeeze %dma_start3A_57 : memref<1x50x128x128xf32, #tpu.memory_space<hbm>> -> memref<50x128x128xf32, #tpu.memory_space<hbm>>
    %dma_start3A_59 = arith.constant 0 : i32
    %dma_start3A_60 = arith.constant 0 : i32
    %dma_start3A_61 = tpu.memref_slice %dma_start3A_58[%dma_start3A_53, %dma_start3A_59, %dma_start3A_60] : memref<50x128x128xf32, #tpu.memory_space<hbm>> -> memref<1x128x128xf32, #tpu.memory_space<hbm>>
    %dma_start3A_62 = tpu.memref_squeeze %dma_start3A_61 : memref<1x128x128xf32, #tpu.memory_space<hbm>> -> memref<128x128xf32, #tpu.memory_space<hbm>>
    %dma_start3A_63 = arith.constant 0 : i32
    %dma_start3A_64 = arith.constant 0 : i32
    %dma_start3A_65 = arith.constant 0 : i32
    %dma_start3A_66 = tpu.memref_slice %arg4[%add3A, %dma_start3A_63, %dma_start3A_64, %dma_start3A_65] : memref<32x50x128x128xf32, #tpu.memory_space<hbm>> -> memref<1x50x128x128xf32, #tpu.memory_space<hbm>>
    %dma_start3A_67 = tpu.memref_squeeze %dma_start3A_66 : memref<1x50x128x128xf32, #tpu.memory_space<hbm>> -> memref<50x128x128xf32, #tpu.memory_space<hbm>>
    %dma_start3A_68 = arith.constant 0 : i32
    %dma_start3A_69 = arith.constant 0 : i32
    %dma_start3A_70 = tpu.memref_slice %dma_start3A_67[%dma_start3A_53, %dma_start3A_68, %dma_start3A_69] : memref<50x128x128xf32, #tpu.memory_space<hbm>> -> memref<1x128x128xf32, #tpu.memory_space<hbm>>
    %dma_start3A_71 = tpu.memref_squeeze %dma_start3A_70 : memref<1x128x128xf32, #tpu.memory_space<hbm>> -> memref<128x128xf32, #tpu.memory_space<hbm>>
    tpu.enqueue_dma source(%arg7 : memref<128x128xf32, #tpu.memory_space<vmem>>) target(%dma_start3A_71 : memref<128x128xf32, #tpu.memory_space<hbm>>) target_semaphore(%arg17 : memref<!tpu.dma_semaphore, #tpu.memory_space<semaphore_mem>>)
    %dma_start3A_72 = arith.constant 3 : i32
    %dma_start3A_73 = arith.constant 0 : i32
    %dma_start3A_74 = tpu.memref_slice %arg5[%dma_start3A_72, %dma_start3A_73] : memref<50x128xi32, #tpu.memory_space<vmem>> -> memref<1x128xi32, #tpu.memory_space<vmem>>
    %dma_start3A_75 = tpu.memref_squeeze %dma_start3A_74 : memref<1x128xi32, #tpu.memory_space<vmem>> -> memref<128xi32, #tpu.memory_space<vmem>>
    %dma_start3A_76 = arith.constant 0 : i32
    %dma_start3A_77 = arith.constant 0 : i32
    %dma_start3A_78 = tpu.memref_slice %arg3[%dma_start3A_76, %dma_start3A_77] : memref<100000x128xf32, #tpu.memory_space<hbm>> -> memref<100000x128xf32, #tpu.memory_space<hbm>>
    tpu.enqueue_indirect_dma source(%dma_start3A_78 : memref<100000x128xf32, #tpu.memory_space<hbm>>) target(%arg9 : memref<128x128xf32, #tpu.memory_space<vmem>>) offsets(%dma_start3A_75 : memref<128xi32, #tpu.memory_space<vmem>>) semaphore(%arg14 : memref<!tpu.dma_semaphore, #tpu.memory_space<semaphore_mem>>)
    %dma_wait3A_79 = arith.constant 2 : i32
    %dma_wait3A_80 = arith.constant 0 : i32
    %dma_wait3A_81 = tpu.memref_slice %arg5[%dma_wait3A_79, %dma_wait3A_80] : memref<50x128xi32, #tpu.memory_space<vmem>> -> memref<1x128xi32, #tpu.memory_space<vmem>>
    %dma_wait3A_82 = tpu.memref_squeeze %dma_wait3A_81 : memref<1x128xi32, #tpu.memory_space<vmem>> -> memref<128xi32, #tpu.memory_space<vmem>>
    %dma_wait3A_83 = arith.constant 0 : i32
    %dma_wait3A_84 = arith.constant 0 : i32
    %dma_wait3A_85 = tpu.memref_slice %arg3[%dma_wait3A_83, %dma_wait3A_84] : memref<100000x128xf32, #tpu.memory_space<hbm>> -> memref<100000x128xf32, #tpu.memory_space<hbm>>
    tpu.wait_indirect_dma semaphore(%arg13 : memref<!tpu.dma_semaphore, #tpu.memory_space<semaphore_mem>>) src(%dma_wait3A_85 : memref<100000x128xf32, #tpu.memory_space<hbm>>) dst(%arg8 : memref<128x128xf32, #tpu.memory_space<vmem>>)
    %dma_start3A_86 = arith.constant 2 : i32
    %dma_start3A_87 = arith.constant 0 : i32
    %dma_start3A_88 = arith.constant 0 : i32
    %dma_start3A_89 = arith.constant 0 : i32
    %dma_start3A_90 = tpu.memref_slice %arg4[%add3A, %dma_start3A_87, %dma_start3A_88, %dma_start3A_89] : memref<32x50x128x128xf32, #tpu.memory_space<hbm>> -> memref<1x50x128x128xf32, #tpu.memory_space<hbm>>
    %dma_start3A_91 = tpu.memref_squeeze %dma_start3A_90 : memref<1x50x128x128xf32, #tpu.memory_space<hbm>> -> memref<50x128x128xf32, #tpu.memory_space<hbm>>
    %dma_start3A_92 = arith.constant 0 : i32
    %dma_start3A_93 = arith.constant 0 : i32
    %dma_start3A_94 = tpu.memref_slice %dma_start3A_91[%dma_start3A_86, %dma_start3A_92, %dma_start3A_93] : memref<50x128x128xf32, #tpu.memory_space<hbm>> -> memref<1x128x128xf32, #tpu.memory_space<hbm>>
    %dma_start3A_95 = tpu.memref_squeeze %dma_start3A_94 : memref<1x128x128xf32, #tpu.memory_space<hbm>> -> memref<128x128xf32, #tpu.memory_space<hbm>>
    %dma_start3A_96 = arith.constant 0 : i32
    %dma_start3A_97 = arith.constant 0 : i32
    %dma_start3A_98 = arith.constant 0 : i32
    %dma_start3A_99 = tpu.memref_slice %arg4[%add3A, %dma_start3A_96, %dma_start3A_97, %dma_start3A_98] : memref<32x50x128x128xf32, #tpu.memory_space<hbm>> -> memref<1x50x128x128xf32, #tpu.memory_space<hbm>>
    %dma_start3A_100 = tpu.memref_squeeze %dma_start3A_99 : memref<1x50x128x128xf32, #tpu.memory_space<hbm>> -> memref<50x128x128xf32, #tpu.memory_space<hbm>>
    %dma_start3A_101 = arith.constant 0 : i32
    %dma_start3A_102 = arith.constant 0 : i32
    %dma_start3A_103 = tpu.memref_slice %dma_start3A_100[%dma_start3A_86, %dma_start3A_101, %dma_start3A_102] : memref<50x128x128xf32, #tpu.memory_space<hbm>> -> memref<1x128x128xf32, #tpu.memory_space<hbm>>
    %dma_start3A_104 = tpu.memref_squeeze %dma_start3A_103 : memref<1x128x128xf32, #tpu.memory_space<hbm>> -> memref<128x128xf32, #tpu.memory_space<hbm>>
    tpu.enqueue_dma source(%arg8 : memref<128x128xf32, #tpu.memory_space<vmem>>) target(%dma_start3A_104 : memref<128x128xf32, #tpu.memory_space<hbm>>) target_semaphore(%arg18 : memref<!tpu.dma_semaphore, #tpu.memory_space<semaphore_mem>>)
    %dma_start3A_105 = arith.constant 4 : i32
    %dma_start3A_106 = arith.constant 0 : i32
    %dma_start3A_107 = tpu.memref_slice %arg5[%dma_start3A_105, %dma_start3A_106] : memref<50x128xi32, #tpu.memory_space<vmem>> -> memref<1x128xi32, #tpu.memory_space<vmem>>
    %dma_start3A_108 = tpu.memref_squeeze %dma_start3A_107 : memref<1x128xi32, #tpu.memory_space<vmem>> -> memref<128xi32, #tpu.memory_space<vmem>>
    %dma_start3A_109 = arith.constant 0 : i32
    %dma_start3A_110 = arith.constant 0 : i32
    %dma_start3A_111 = tpu.memref_slice %arg3[%dma_start3A_109, %dma_start3A_110] : memref<100000x128xf32, #tpu.memory_space<hbm>> -> memref<100000x128xf32, #tpu.memory_space<hbm>>
    tpu.enqueue_indirect_dma source(%dma_start3A_111 : memref<100000x128xf32, #tpu.memory_space<hbm>>) target(%arg10 : memref<128x128xf32, #tpu.memory_space<vmem>>) offsets(%dma_start3A_108 : memref<128xi32, #tpu.memory_space<vmem>>) semaphore(%arg15 : memref<!tpu.dma_semaphore, #tpu.memory_space<semaphore_mem>>)
    %dma_wait3A_112 = arith.constant 3 : i32
    %dma_wait3A_113 = arith.constant 0 : i32
    %dma_wait3A_114 = tpu.memref_slice %arg5[%dma_wait3A_112, %dma_wait3A_113] : memref<50x128xi32, #tpu.memory_space<vmem>> -> memref<1x128xi32, #tpu.memory_space<vmem>>
    %dma_wait3A_115 = tpu.memref_squeeze %dma_wait3A_114 : memref<1x128xi32, #tpu.memory_space<vmem>> -> memref<128xi32, #tpu.memory_space<vmem>>
    %dma_wait3A_116 = arith.constant 0 : i32
    %dma_wait3A_117 = arith.constant 0 : i32
    %dma_wait3A_118 = tpu.memref_slice %arg3[%dma_wait3A_116, %dma_wait3A_117] : memref<100000x128xf32, #tpu.memory_space<hbm>> -> memref<100000x128xf32, #tpu.memory_space<hbm>>
    tpu.wait_indirect_dma semaphore(%arg14 : memref<!tpu.dma_semaphore, #tpu.memory_space<semaphore_mem>>) src(%dma_wait3A_118 : memref<100000x128xf32, #tpu.memory_space<hbm>>) dst(%arg9 : memref<128x128xf32, #tpu.memory_space<vmem>>)
    %dma_start3A_119 = arith.constant 3 : i32
    %dma_start3A_120 = arith.constant 0 : i32
    %dma_start3A_121 = arith.constant 0 : i32
    %dma_start3A_122 = arith.constant 0 : i32
    %dma_start3A_123 = tpu.memref_slice %arg4[%add3A, %dma_start3A_120, %dma_start3A_121, %dma_start3A_122] : memref<32x50x128x128xf32, #tpu.memory_space<hbm>> -> memref<1x50x128x128xf32, #tpu.memory_space<hbm>>
    %dma_start3A_124 = tpu.memref_squeeze %dma_start3A_123 : memref<1x50x128x128xf32, #tpu.memory_space<hbm>> -> memref<50x128x128xf32, #tpu.memory_space<hbm>>
    %dma_start3A_125 = arith.constant 0 : i32
    %dma_start3A_126 = arith.constant 0 : i32
    %dma_start3A_127 = tpu.memref_slice %dma_start3A_124[%dma_start3A_119, %dma_start3A_125, %dma_start3A_126] : memref<50x128x128xf32, #tpu.memory_space<hbm>> -> memref<1x128x128xf32, #tpu.memory_space<hbm>>
    %dma_start3A_128 = tpu.memref_squeeze %dma_start3A_127 : memref<1x128x128xf32, #tpu.memory_space<hbm>> -> memref<128x128xf32, #tpu.memory_space<hbm>>
    %dma_start3A_129 = arith.constant 0 : i32
    %dma_start3A_130 = arith.constant 0 : i32
    %dma_start3A_131 = arith.constant 0 : i32
    %dma_start3A_132 = tpu.memref_slice %arg4[%add3A, %dma_start3A_129, %dma_start3A_130, %dma_start3A_131] : memref<32x50x128x128xf32, #tpu.memory_space<hbm>> -> memref<1x50x128x128xf32, #tpu.memory_space<hbm>>
    %dma_start3A_133 = tpu.memref_squeeze %dma_start3A_132 : memref<1x50x128x128xf32, #tpu.memory_space<hbm>> -> memref<50x128x128xf32, #tpu.memory_space<hbm>>
    %dma_start3A_134 = arith.constant 0 : i32
    %dma_start3A_135 = arith.constant 0 : i32
    %dma_start3A_136 = tpu.memref_slice %dma_start3A_133[%dma_start3A_119, %dma_start3A_134, %dma_start3A_135] : memref<50x128x128xf32, #tpu.memory_space<hbm>> -> memref<1x128x128xf32, #tpu.memory_space<hbm>>
    %dma_start3A_137 = tpu.memref_squeeze %dma_start3A_136 : memref<1x128x128xf32, #tpu.memory_space<hbm>> -> memref<128x128xf32, #tpu.memory_space<hbm>>
    tpu.enqueue_dma source(%arg9 : memref<128x128xf32, #tpu.memory_space<vmem>>) target(%dma_start3A_137 : memref<128x128xf32, #tpu.memory_space<hbm>>) target_semaphore(%arg19 : memref<!tpu.dma_semaphore, #tpu.memory_space<semaphore_mem>>)
    %dma_wait3A_138 = arith.constant 0 : i32
    %dma_wait3A_139 = arith.constant 0 : i32
    %dma_wait3A_140 = arith.constant 0 : i32
    %dma_wait3A_141 = arith.constant 0 : i32
    %dma_wait3A_142 = tpu.memref_slice %arg4[%add3A, %dma_wait3A_139, %dma_wait3A_140, %dma_wait3A_141] : memref<32x50x128x128xf32, #tpu.memory_space<hbm>> -> memref<1x50x128x128xf32, #tpu.memory_space<hbm>>
    %dma_wait3A_143 = tpu.memref_squeeze %dma_wait3A_142 : memref<1x50x128x128xf32, #tpu.memory_space<hbm>> -> memref<50x128x128xf32, #tpu.memory_space<hbm>>
    %dma_wait3A_144 = arith.constant 0 : i32
    %dma_wait3A_145 = arith.constant 0 : i32
    %dma_wait3A_146 = tpu.memref_slice %dma_wait3A_143[%dma_wait3A_138, %dma_wait3A_144, %dma_wait3A_145] : memref<50x128x128xf32, #tpu.memory_space<hbm>> -> memref<1x128x128xf32, #tpu.memory_space<hbm>>
    %dma_wait3A_147 = tpu.memref_squeeze %dma_wait3A_146 : memref<1x128x128xf32, #tpu.memory_space<hbm>> -> memref<128x128xf32, #tpu.memory_space<hbm>>
    %dma_wait3A_148 = arith.constant 0 : i32
    %dma_wait3A_149 = arith.constant 0 : i32
    %dma_wait3A_150 = arith.constant 0 : i32
    %dma_wait3A_151 = tpu.memref_slice %arg4[%add3A, %dma_wait3A_148, %dma_wait3A_149, %dma_wait3A_150] : memref<32x50x128x128xf32, #tpu.memory_space<hbm>> -> memref<1x50x128x128xf32, #tpu.memory_space<hbm>>
    %dma_wait3A_152 = tpu.memref_squeeze %dma_wait3A_151 : memref<1x50x128x128xf32, #tpu.memory_space<hbm>> -> memref<50x128x128xf32, #tpu.memory_space<hbm>>
    %dma_wait3A_153 = arith.constant 0 : i32
    %dma_wait3A_154 = arith.constant 0 : i32
    %dma_wait3A_155 = tpu.memref_slice %dma_wait3A_152[%dma_wait3A_138, %dma_wait3A_153, %dma_wait3A_154] : memref<50x128x128xf32, #tpu.memory_space<hbm>> -> memref<1x128x128xf32, #tpu.memory_space<hbm>>
    %dma_wait3A_156 = tpu.memref_squeeze %dma_wait3A_155 : memref<1x128x128xf32, #tpu.memory_space<hbm>> -> memref<128x128xf32, #tpu.memory_space<hbm>>
    tpu.wait_dma2 semaphore(%arg16 : memref<!tpu.dma_semaphore, #tpu.memory_space<semaphore_mem>>) src(%arg6 : memref<128x128xf32, #tpu.memory_space<vmem>>) dst(%dma_wait3A_156 : memref<128x128xf32, #tpu.memory_space<hbm>>)
    %dma_start3A_157 = arith.constant 5 : i32
    %dma_start3A_158 = arith.constant 0 : i32
    %dma_start3A_159 = tpu.memref_slice %arg5[%dma_start3A_157, %dma_start3A_158] : memref<50x128xi32, #tpu.memory_space<vmem>> -> memref<1x128xi32, #tpu.memory_space<vmem>>
    %dma_start3A_160 = tpu.memref_squeeze %dma_start3A_159 : memref<1x128xi32, #tpu.memory_space<vmem>> -> memref<128xi32, #tpu.memory_space<vmem>>
    %dma_start3A_161 = arith.constant 0 : i32
    %dma_start3A_162 = arith.constant 0 : i32
    %dma_start3A_163 = tpu.memref_slice %arg3[%dma_start3A_161, %dma_start3A_162] : memref<100000x128xf32, #tpu.memory_space<hbm>> -> memref<100000x128xf32, #tpu.memory_space<hbm>>
    tpu.enqueue_indirect_dma source(%dma_start3A_163 : memref<100000x128xf32, #tpu.memory_space<hbm>>) target(%arg6 : memref<128x128xf32, #tpu.memory_space<vmem>>) offsets(%dma_start3A_160 : memref<128xi32, #tpu.memory_space<vmem>>) semaphore(%arg11 : memref<!tpu.dma_semaphore, #tpu.memory_space<semaphore_mem>>)
    %dma_wait3A_164 = arith.constant 4 : i32
    %dma_wait3A_165 = arith.constant 0 : i32
    %dma_wait3A_166 = tpu.memref_slice %arg5[%dma_wait3A_164, %dma_wait3A_165] : memref<50x128xi32, #tpu.memory_space<vmem>> -> memref<1x128xi32, #tpu.memory_space<vmem>>
    %dma_wait3A_167 = tpu.memref_squeeze %dma_wait3A_166 : memref<1x128xi32, #tpu.memory_space<vmem>> -> memref<128xi32, #tpu.memory_space<vmem>>
    %dma_wait3A_168 = arith.constant 0 : i32
    %dma_wait3A_169 = arith.constant 0 : i32
    %dma_wait3A_170 = tpu.memref_slice %arg3[%dma_wait3A_168, %dma_wait3A_169] : memref<100000x128xf32, #tpu.memory_space<hbm>> -> memref<100000x128xf32, #tpu.memory_space<hbm>>
    tpu.wait_indirect_dma semaphore(%arg15 : memref<!tpu.dma_semaphore, #tpu.memory_space<semaphore_mem>>) src(%dma_wait3A_170 : memref<100000x128xf32, #tpu.memory_space<hbm>>) dst(%arg10 : memref<128x128xf32, #tpu.memory_space<vmem>>)
    %dma_start3A_171 = arith.constant 4 : i32
    %dma_start3A_172 = arith.constant 0 : i32
    %dma_start3A_173 = arith.constant 0 : i32
    %dma_start3A_174 = arith.constant 0 : i32
    %dma_start3A_175 = tpu.memref_slice %arg4[%add3A, %dma_start3A_172, %dma_start3A_173, %dma_start3A_174] : memref<32x50x128x128xf32, #tpu.memory_space<hbm>> -> memref<1x50x128x128xf32, #tpu.memory_space<hbm>>
    %dma_start3A_176 = tpu.memref_squeeze %dma_start3A_175 : memref<1x50x128x128xf32, #tpu.memory_space<hbm>> -> memref<50x128x128xf32, #tpu.memory_space<hbm>>
    %dma_start3A_177 = arith.constant 0 : i32
    %dma_start3A_178 = arith.constant 0 : i32
    %dma_start3A_179 = tpu.memref_slice %dma_start3A_176[%dma_start3A_171, %dma_start3A_177, %dma_start3A_178] : memref<50x128x128xf32, #tpu.memory_space<hbm>> -> memref<1x128x128xf32, #tpu.memory_space<hbm>>
    %dma_start3A_180 = tpu.memref_squeeze %dma_start3A_179 : memref<1x128x128xf32, #tpu.memory_space<hbm>> -> memref<128x128xf32, #tpu.memory_space<hbm>>
    %dma_start3A_181 = arith.constant 0 : i32
    %dma_start3A_182 = arith.constant 0 : i32
    %dma_start3A_183 = arith.constant 0 : i32
    %dma_start3A_184 = tpu.memref_slice %arg4[%add3A, %dma_start3A_181, %dma_start3A_182, %dma_start3A_183] : memref<32x50x128x128xf32, #tpu.memory_space<hbm>> -> memref<1x50x128x128xf32, #tpu.memory_space<hbm>>
    %dma_start3A_185 = tpu.memref_squeeze %dma_start3A_184 : memref<1x50x128x128xf32, #tpu.memory_space<hbm>> -> memref<50x128x128xf32, #tpu.memory_space<hbm>>
    %dma_start3A_186 = arith.constant 0 : i32
    %dma_start3A_187 = arith.constant 0 : i32
    %dma_start3A_188 = tpu.memref_slice %dma_start3A_185[%dma_start3A_171, %dma_start3A_186, %dma_start3A_187] : memref<50x128x128xf32, #tpu.memory_space<hbm>> -> memref<1x128x128xf32, #tpu.memory_space<hbm>>
    %dma_start3A_189 = tpu.memref_squeeze %dma_start3A_188 : memref<1x128x128xf32, #tpu.memory_space<hbm>> -> memref<128x128xf32, #tpu.memory_space<hbm>>
    tpu.enqueue_dma source(%arg10 : memref<128x128xf32, #tpu.memory_space<vmem>>) target(%dma_start3A_189 : memref<128x128xf32, #tpu.memory_space<hbm>>) target_semaphore(%arg20 : memref<!tpu.dma_semaphore, #tpu.memory_space<semaphore_mem>>)
    %dma_wait3A_190 = arith.constant 1 : i32
    %dma_wait3A_191 = arith.constant 0 : i32
    %dma_wait3A_192 = arith.constant 0 : i32
    %dma_wait3A_193 = arith.constant 0 : i32
    %dma_wait3A_194 = tpu.memref_slice %arg4[%add3A, %dma_wait3A_191, %dma_wait3A_192, %dma_wait3A_193] : memref<32x50x128x128xf32, #tpu.memory_space<hbm>> -> memref<1x50x128x128xf32, #tpu.memory_space<hbm>>
    %dma_wait3A_195 = tpu.memref_squeeze %dma_wait3A_194 : memref<1x50x128x128xf32, #tpu.memory_space<hbm>> -> memref<50x128x128xf32, #tpu.memory_space<hbm>>
    %dma_wait3A_196 = arith.constant 0 : i32
    %dma_wait3A_197 = arith.constant 0 : i32
    %dma_wait3A_198 = tpu.memref_slice %dma_wait3A_195[%dma_wait3A_190, %dma_wait3A_196, %dma_wait3A_197] : memref<50x128x128xf32, #tpu.memory_space<hbm>> -> memref<1x128x128xf32, #tpu.memory_space<hbm>>
    %dma_wait3A_199 = tpu.memref_squeeze %dma_wait3A_198 : memref<1x128x128xf32, #tpu.memory_space<hbm>> -> memref<128x128xf32, #tpu.memory_space<hbm>>
    %dma_wait3A_200 = arith.constant 0 : i32
    %dma_wait3A_201 = arith.constant 0 : i32
    %dma_wait3A_202 = arith.constant 0 : i32
    %dma_wait3A_203 = tpu.memref_slice %arg4[%add3A, %dma_wait3A_200, %dma_wait3A_201, %dma_wait3A_202] : memref<32x50x128x128xf32, #tpu.memory_space<hbm>> -> memref<1x50x128x128xf32, #tpu.memory_space<hbm>>
    %dma_wait3A_204 = tpu.memref_squeeze %dma_wait3A_203 : memref<1x50x128x128xf32, #tpu.memory_space<hbm>> -> memref<50x128x128xf32, #tpu.memory_space<hbm>>
    %dma_wait3A_205 = arith.constant 0 : i32
    %dma_wait3A_206 = arith.constant 0 : i32
    %dma_wait3A_207 = tpu.memref_slice %dma_wait3A_204[%dma_wait3A_190, %dma_wait3A_205, %dma_wait3A_206] : memref<50x128x128xf32, #tpu.memory_space<hbm>> -> memref<1x128x128xf32, #tpu.memory_space<hbm>>
    %dma_wait3A_208 = tpu.memref_squeeze %dma_wait3A_207 : memref<1x128x128xf32, #tpu.memory_space<hbm>> -> memref<128x128xf32, #tpu.memory_space<hbm>>
    tpu.wait_dma2 semaphore(%arg17 : memref<!tpu.dma_semaphore, #tpu.memory_space<semaphore_mem>>) src(%arg7 : memref<128x128xf32, #tpu.memory_space<vmem>>) dst(%dma_wait3A_208 : memref<128x128xf32, #tpu.memory_space<hbm>>)
    %dma_start3A_209 = arith.constant 6 : i32
    %dma_start3A_210 = arith.constant 0 : i32
    %dma_start3A_211 = tpu.memref_slice %arg5[%dma_start3A_209, %dma_start3A_210] : memref<50x128xi32, #tpu.memory_space<vmem>> -> memref<1x128xi32, #tpu.memory_space<vmem>>
    %dma_start3A_212 = tpu.memref_squeeze %dma_start3A_211 : memref<1x128xi32, #tpu.memory_space<vmem>> -> memref<128xi32, #tpu.memory_space<vmem>>
    %dma_start3A_213 = arith.constant 0 : i32
    %dma_start3A_214 = arith.constant 0 : i32
    %dma_start3A_215 = tpu.memref_slice %arg3[%dma_start3A_213, %dma_start3A_214] : memref<100000x128xf32, #tpu.memory_space<hbm>> -> memref<100000x128xf32, #tpu.memory_space<hbm>>
    tpu.enqueue_indirect_dma source(%dma_start3A_215 : memref<100000x128xf32, #tpu.memory_space<hbm>>) target(%arg7 : memref<128x128xf32, #tpu.memory_space<vmem>>) offsets(%dma_start3A_212 : memref<128xi32, #tpu.memory_space<vmem>>) semaphore(%arg12 : memref<!tpu.dma_semaphore, #tpu.memory_space<semaphore_mem>>)
    %scan3A = arith.constant 0 : i32
    %scan3A_216 = arith.constant 1 : i32
    %scan3A_217 = arith.constant 9 : i32
    %scan3A_218 = arith.addi %scan3A_216, %scan3A_217 : i32
    %scan3A_219 = arith.constant 1 : i32
    scf.for %scan3A_278 = %scan3A_216 to %scan3A_218 step %scan3A_219  : i32 {
      %mul3A_279 = arith.constant 5 : i32
      %mul3A_280 = arith.muli %scan3A_278, %mul3A_279 : i32
      %add3A_281 = arith.constant 0 : i32
      %add3A_282 = arith.addi %mul3A_280, %add3A_281 : i32
      %dma_wait3A_283 = arith.constant 0 : i32
      %dma_wait3A_284 = tpu.memref_slice %arg5[%add3A_282, %dma_wait3A_283] : memref<50x128xi32, #tpu.memory_space<vmem>> -> memref<1x128xi32, #tpu.memory_space<vmem>>
      %dma_wait3A_285 = tpu.memref_squeeze %dma_wait3A_284 : memref<1x128xi32, #tpu.memory_space<vmem>> -> memref<128xi32, #tpu.memory_space<vmem>>
      %dma_wait3A_286 = arith.constant 0 : i32
      %dma_wait3A_287 = arith.constant 0 : i32
      %dma_wait3A_288 = tpu.memref_slice %arg3[%dma_wait3A_286, %dma_wait3A_287] : memref<100000x128xf32, #tpu.memory_space<hbm>> -> memref<100000x128xf32, #tpu.memory_space<hbm>>
      tpu.wait_indirect_dma semaphore(%arg11 : memref<!tpu.dma_semaphore, #tpu.memory_space<semaphore_mem>>) src(%dma_wait3A_288 : memref<100000x128xf32, #tpu.memory_space<hbm>>) dst(%arg6 : memref<128x128xf32, #tpu.memory_space<vmem>>)
      %dma_start3A_289 = arith.constant 0 : i32
      %dma_start3A_290 = arith.constant 0 : i32
      %dma_start3A_291 = arith.constant 0 : i32
      %dma_start3A_292 = tpu.memref_slice %arg4[%add3A, %dma_start3A_289, %dma_start3A_290, %dma_start3A_291] : memref<32x50x128x128xf32, #tpu.memory_space<hbm>> -> memref<1x50x128x128xf32, #tpu.memory_space<hbm>>
      %dma_start3A_293 = tpu.memref_squeeze %dma_start3A_292 : memref<1x50x128x128xf32, #tpu.memory_space<hbm>> -> memref<50x128x128xf32, #tpu.memory_space<hbm>>
      %dma_start3A_294 = arith.constant 0 : i32
      %dma_start3A_295 = arith.constant 0 : i32
      %dma_start3A_296 = tpu.memref_slice %dma_start3A_293[%add3A_282, %dma_start3A_294, %dma_start3A_295] : memref<50x128x128xf32, #tpu.memory_space<hbm>> -> memref<1x128x128xf32, #tpu.memory_space<hbm>>
      %dma_start3A_297 = tpu.memref_squeeze %dma_start3A_296 : memref<1x128x128xf32, #tpu.memory_space<hbm>> -> memref<128x128xf32, #tpu.memory_space<hbm>>
      %dma_start3A_298 = arith.constant 0 : i32
      %dma_start3A_299 = arith.constant 0 : i32
      %dma_start3A_300 = arith.constant 0 : i32
      %dma_start3A_301 = tpu.memref_slice %arg4[%add3A, %dma_start3A_298, %dma_start3A_299, %dma_start3A_300] : memref<32x50x128x128xf32, #tpu.memory_space<hbm>> -> memref<1x50x128x128xf32, #tpu.memory_space<hbm>>
      %dma_start3A_302 = tpu.memref_squeeze %dma_start3A_301 : memref<1x50x128x128xf32, #tpu.memory_space<hbm>> -> memref<50x128x128xf32, #tpu.memory_space<hbm>>
      %dma_start3A_303 = arith.constant 0 : i32
      %dma_start3A_304 = arith.constant 0 : i32
      %dma_start3A_305 = tpu.memref_slice %dma_start3A_302[%add3A_282, %dma_start3A_303, %dma_start3A_304] : memref<50x128x128xf32, #tpu.memory_space<hbm>> -> memref<1x128x128xf32, #tpu.memory_space<hbm>>
      %dma_start3A_306 = tpu.memref_squeeze %dma_start3A_305 : memref<1x128x128xf32, #tpu.memory_space<hbm>> -> memref<128x128xf32, #tpu.memory_space<hbm>>
      tpu.enqueue_dma source(%arg6 : memref<128x128xf32, #tpu.memory_space<vmem>>) target(%dma_start3A_306 : memref<128x128xf32, #tpu.memory_space<hbm>>) target_semaphore(%arg16 : memref<!tpu.dma_semaphore, #tpu.memory_space<semaphore_mem>>)
      %sub3A = arith.constant 3 : i32
      %sub3A_307 = arith.subi %add3A_282, %sub3A : i32
      %dma_wait3A_308 = arith.constant 0 : i32
      %dma_wait3A_309 = arith.constant 0 : i32
      %dma_wait3A_310 = arith.constant 0 : i32
      %dma_wait3A_311 = tpu.memref_slice %arg4[%add3A, %dma_wait3A_308, %dma_wait3A_309, %dma_wait3A_310] : memref<32x50x128x128xf32, #tpu.memory_space<hbm>> -> memref<1x50x128x128xf32, #tpu.memory_space<hbm>>
      %dma_wait3A_312 = tpu.memref_squeeze %dma_wait3A_311 : memref<1x50x128x128xf32, #tpu.memory_space<hbm>> -> memref<50x128x128xf32, #tpu.memory_space<hbm>>
      %dma_wait3A_313 = arith.constant 0 : i32
      %dma_wait3A_314 = arith.constant 0 : i32
      %dma_wait3A_315 = tpu.memref_slice %dma_wait3A_312[%sub3A_307, %dma_wait3A_313, %dma_wait3A_314] : memref<50x128x128xf32, #tpu.memory_space<hbm>> -> memref<1x128x128xf32, #tpu.memory_space<hbm>>
      %dma_wait3A_316 = tpu.memref_squeeze %dma_wait3A_315 : memref<1x128x128xf32, #tpu.memory_space<hbm>> -> memref<128x128xf32, #tpu.memory_space<hbm>>
      %dma_wait3A_317 = arith.constant 0 : i32
      %dma_wait3A_318 = arith.constant 0 : i32
      %dma_wait3A_319 = arith.constant 0 : i32
      %dma_wait3A_320 = tpu.memref_slice %arg4[%add3A, %dma_wait3A_317, %dma_wait3A_318, %dma_wait3A_319] : memref<32x50x128x128xf32, #tpu.memory_space<hbm>> -> memref<1x50x128x128xf32, #tpu.memory_space<hbm>>
      %dma_wait3A_321 = tpu.memref_squeeze %dma_wait3A_320 : memref<1x50x128x128xf32, #tpu.memory_space<hbm>> -> memref<50x128x128xf32, #tpu.memory_space<hbm>>
      %dma_wait3A_322 = arith.constant 0 : i32
      %dma_wait3A_323 = arith.constant 0 : i32
      %dma_wait3A_324 = tpu.memref_slice %dma_wait3A_321[%sub3A_307, %dma_wait3A_322, %dma_wait3A_323] : memref<50x128x128xf32, #tpu.memory_space<hbm>> -> memref<1x128x128xf32, #tpu.memory_space<hbm>>
      %dma_wait3A_325 = tpu.memref_squeeze %dma_wait3A_324 : memref<1x128x128xf32, #tpu.memory_space<hbm>> -> memref<128x128xf32, #tpu.memory_space<hbm>>
      tpu.wait_dma2 semaphore(%arg18 : memref<!tpu.dma_semaphore, #tpu.memory_space<semaphore_mem>>) src(%arg8 : memref<128x128xf32, #tpu.memory_space<vmem>>) dst(%dma_wait3A_325 : memref<128x128xf32, #tpu.memory_space<hbm>>)
      %add3A_326 = arith.constant 2 : i32
      %add3A_327 = arith.addi %add3A_282, %add3A_326 : i32
      %lt3A = arith.constant 50 : i32
      %lt3A_328 = arith.cmpi slt, %add3A_327, %lt3A : i32
      %convert_element_type3A = arith.extui %lt3A_328 : i1 to i32
      %cond3A = arith.constant 0 : i32
      %cond3A_329 = arith.cmpi ne, %convert_element_type3A, %cond3A : i32
      scf.if %cond3A_329 {
        %add3A_550 = arith.constant 2 : i32
        %add3A_551 = arith.addi %add3A_282, %add3A_550 : i32
        %dma_start3A_552 = arith.constant 0 : i32
        %dma_start3A_553 = tpu.memref_slice %arg5[%add3A_551, %dma_start3A_552] : memref<50x128xi32, #tpu.memory_space<vmem>> -> memref<1x128xi32, #tpu.memory_space<vmem>>
        %dma_start3A_554 = tpu.memref_squeeze %dma_start3A_553 : memref<1x128xi32, #tpu.memory_space<vmem>> -> memref<128xi32, #tpu.memory_space<vmem>>
        %dma_start3A_555 = arith.constant 0 : i32
        %dma_start3A_556 = arith.constant 0 : i32
        %dma_start3A_557 = tpu.memref_slice %arg3[%dma_start3A_555, %dma_start3A_556] : memref<100000x128xf32, #tpu.memory_space<hbm>> -> memref<100000x128xf32, #tpu.memory_space<hbm>>
        tpu.enqueue_indirect_dma source(%dma_start3A_557 : memref<100000x128xf32, #tpu.memory_space<hbm>>) target(%arg8 : memref<128x128xf32, #tpu.memory_space<vmem>>) offsets(%dma_start3A_554 : memref<128xi32, #tpu.memory_space<vmem>>) semaphore(%arg13 : memref<!tpu.dma_semaphore, #tpu.memory_space<semaphore_mem>>)
      } else {
      }
      %mul3A_330 = arith.constant 5 : i32
      %mul3A_331 = arith.muli %scan3A_278, %mul3A_330 : i32
      %add3A_332 = arith.constant 1 : i32
      %add3A_333 = arith.addi %mul3A_331, %add3A_332 : i32
      %dma_wait3A_334 = arith.constant 0 : i32
      %dma_wait3A_335 = tpu.memref_slice %arg5[%add3A_333, %dma_wait3A_334] : memref<50x128xi32, #tpu.memory_space<vmem>> -> memref<1x128xi32, #tpu.memory_space<vmem>>
      %dma_wait3A_336 = tpu.memref_squeeze %dma_wait3A_335 : memref<1x128xi32, #tpu.memory_space<vmem>> -> memref<128xi32, #tpu.memory_space<vmem>>
      %dma_wait3A_337 = arith.constant 0 : i32
      %dma_wait3A_338 = arith.constant 0 : i32
      %dma_wait3A_339 = tpu.memref_slice %arg3[%dma_wait3A_337, %dma_wait3A_338] : memref<100000x128xf32, #tpu.memory_space<hbm>> -> memref<100000x128xf32, #tpu.memory_space<hbm>>
      tpu.wait_indirect_dma semaphore(%arg12 : memref<!tpu.dma_semaphore, #tpu.memory_space<semaphore_mem>>) src(%dma_wait3A_339 : memref<100000x128xf32, #tpu.memory_space<hbm>>) dst(%arg7 : memref<128x128xf32, #tpu.memory_space<vmem>>)
      %dma_start3A_340 = arith.constant 0 : i32
      %dma_start3A_341 = arith.constant 0 : i32
      %dma_start3A_342 = arith.constant 0 : i32
      %dma_start3A_343 = tpu.memref_slice %arg4[%add3A, %dma_start3A_340, %dma_start3A_341, %dma_start3A_342] : memref<32x50x128x128xf32, #tpu.memory_space<hbm>> -> memref<1x50x128x128xf32, #tpu.memory_space<hbm>>
      %dma_start3A_344 = tpu.memref_squeeze %dma_start3A_343 : memref<1x50x128x128xf32, #tpu.memory_space<hbm>> -> memref<50x128x128xf32, #tpu.memory_space<hbm>>
      %dma_start3A_345 = arith.constant 0 : i32
      %dma_start3A_346 = arith.constant 0 : i32
      %dma_start3A_347 = tpu.memref_slice %dma_start3A_344[%add3A_333, %dma_start3A_345, %dma_start3A_346] : memref<50x128x128xf32, #tpu.memory_space<hbm>> -> memref<1x128x128xf32, #tpu.memory_space<hbm>>
      %dma_start3A_348 = tpu.memref_squeeze %dma_start3A_347 : memref<1x128x128xf32, #tpu.memory_space<hbm>> -> memref<128x128xf32, #tpu.memory_space<hbm>>
      %dma_start3A_349 = arith.constant 0 : i32
      %dma_start3A_350 = arith.constant 0 : i32
      %dma_start3A_351 = arith.constant 0 : i32
      %dma_start3A_352 = tpu.memref_slice %arg4[%add3A, %dma_start3A_349, %dma_start3A_350, %dma_start3A_351] : memref<32x50x128x128xf32, #tpu.memory_space<hbm>> -> memref<1x50x128x128xf32, #tpu.memory_space<hbm>>
      %dma_start3A_353 = tpu.memref_squeeze %dma_start3A_352 : memref<1x50x128x128xf32, #tpu.memory_space<hbm>> -> memref<50x128x128xf32, #tpu.memory_space<hbm>>
      %dma_start3A_354 = arith.constant 0 : i32
      %dma_start3A_355 = arith.constant 0 : i32
      %dma_start3A_356 = tpu.memref_slice %dma_start3A_353[%add3A_333, %dma_start3A_354, %dma_start3A_355] : memref<50x128x128xf32, #tpu.memory_space<hbm>> -> memref<1x128x128xf32, #tpu.memory_space<hbm>>
      %dma_start3A_357 = tpu.memref_squeeze %dma_start3A_356 : memref<1x128x128xf32, #tpu.memory_space<hbm>> -> memref<128x128xf32, #tpu.memory_space<hbm>>
      tpu.enqueue_dma source(%arg7 : memref<128x128xf32, #tpu.memory_space<vmem>>) target(%dma_start3A_357 : memref<128x128xf32, #tpu.memory_space<hbm>>) target_semaphore(%arg17 : memref<!tpu.dma_semaphore, #tpu.memory_space<semaphore_mem>>)
      %sub3A_358 = arith.constant 3 : i32
      %sub3A_359 = arith.subi %add3A_333, %sub3A_358 : i32
      %dma_wait3A_360 = arith.constant 0 : i32
      %dma_wait3A_361 = arith.constant 0 : i32
      %dma_wait3A_362 = arith.constant 0 : i32
      %dma_wait3A_363 = tpu.memref_slice %arg4[%add3A, %dma_wait3A_360, %dma_wait3A_361, %dma_wait3A_362] : memref<32x50x128x128xf32, #tpu.memory_space<hbm>> -> memref<1x50x128x128xf32, #tpu.memory_space<hbm>>
      %dma_wait3A_364 = tpu.memref_squeeze %dma_wait3A_363 : memref<1x50x128x128xf32, #tpu.memory_space<hbm>> -> memref<50x128x128xf32, #tpu.memory_space<hbm>>
      %dma_wait3A_365 = arith.constant 0 : i32
      %dma_wait3A_366 = arith.constant 0 : i32
      %dma_wait3A_367 = tpu.memref_slice %dma_wait3A_364[%sub3A_359, %dma_wait3A_365, %dma_wait3A_366] : memref<50x128x128xf32, #tpu.memory_space<hbm>> -> memref<1x128x128xf32, #tpu.memory_space<hbm>>
      %dma_wait3A_368 = tpu.memref_squeeze %dma_wait3A_367 : memref<1x128x128xf32, #tpu.memory_space<hbm>> -> memref<128x128xf32, #tpu.memory_space<hbm>>
      %dma_wait3A_369 = arith.constant 0 : i32
      %dma_wait3A_370 = arith.constant 0 : i32
      %dma_wait3A_371 = arith.constant 0 : i32
      %dma_wait3A_372 = tpu.memref_slice %arg4[%add3A, %dma_wait3A_369, %dma_wait3A_370, %dma_wait3A_371] : memref<32x50x128x128xf32, #tpu.memory_space<hbm>> -> memref<1x50x128x128xf32, #tpu.memory_space<hbm>>
      %dma_wait3A_373 = tpu.memref_squeeze %dma_wait3A_372 : memref<1x50x128x128xf32, #tpu.memory_space<hbm>> -> memref<50x128x128xf32, #tpu.memory_space<hbm>>
      %dma_wait3A_374 = arith.constant 0 : i32
      %dma_wait3A_375 = arith.constant 0 : i32
      %dma_wait3A_376 = tpu.memref_slice %dma_wait3A_373[%sub3A_359, %dma_wait3A_374, %dma_wait3A_375] : memref<50x128x128xf32, #tpu.memory_space<hbm>> -> memref<1x128x128xf32, #tpu.memory_space<hbm>>
      %dma_wait3A_377 = tpu.memref_squeeze %dma_wait3A_376 : memref<1x128x128xf32, #tpu.memory_space<hbm>> -> memref<128x128xf32, #tpu.memory_space<hbm>>
      tpu.wait_dma2 semaphore(%arg19 : memref<!tpu.dma_semaphore, #tpu.memory_space<semaphore_mem>>) src(%arg9 : memref<128x128xf32, #tpu.memory_space<vmem>>) dst(%dma_wait3A_377 : memref<128x128xf32, #tpu.memory_space<hbm>>)
      %add3A_378 = arith.constant 2 : i32
      %add3A_379 = arith.addi %add3A_333, %add3A_378 : i32
      %lt3A_380 = arith.constant 50 : i32
      %lt3A_381 = arith.cmpi slt, %add3A_379, %lt3A_380 : i32
      %convert_element_type3A_382 = arith.extui %lt3A_381 : i1 to i32
      %cond3A_383 = arith.constant 0 : i32
      %cond3A_384 = arith.cmpi ne, %convert_element_type3A_382, %cond3A_383 : i32
      scf.if %cond3A_384 {
        %add3A_550 = arith.constant 2 : i32
        %add3A_551 = arith.addi %add3A_333, %add3A_550 : i32
        %dma_start3A_552 = arith.constant 0 : i32
        %dma_start3A_553 = tpu.memref_slice %arg5[%add3A_551, %dma_start3A_552] : memref<50x128xi32, #tpu.memory_space<vmem>> -> memref<1x128xi32, #tpu.memory_space<vmem>>
        %dma_start3A_554 = tpu.memref_squeeze %dma_start3A_553 : memref<1x128xi32, #tpu.memory_space<vmem>> -> memref<128xi32, #tpu.memory_space<vmem>>
        %dma_start3A_555 = arith.constant 0 : i32
        %dma_start3A_556 = arith.constant 0 : i32
        %dma_start3A_557 = tpu.memref_slice %arg3[%dma_start3A_555, %dma_start3A_556] : memref<100000x128xf32, #tpu.memory_space<hbm>> -> memref<100000x128xf32, #tpu.memory_space<hbm>>
        tpu.enqueue_indirect_dma source(%dma_start3A_557 : memref<100000x128xf32, #tpu.memory_space<hbm>>) target(%arg9 : memref<128x128xf32, #tpu.memory_space<vmem>>) offsets(%dma_start3A_554 : memref<128xi32, #tpu.memory_space<vmem>>) semaphore(%arg14 : memref<!tpu.dma_semaphore, #tpu.memory_space<semaphore_mem>>)
      } else {
      }
      %mul3A_385 = arith.constant 5 : i32
      %mul3A_386 = arith.muli %scan3A_278, %mul3A_385 : i32
      %add3A_387 = arith.constant 2 : i32
      %add3A_388 = arith.addi %mul3A_386, %add3A_387 : i32
      %dma_wait3A_389 = arith.constant 0 : i32
      %dma_wait3A_390 = tpu.memref_slice %arg5[%add3A_388, %dma_wait3A_389] : memref<50x128xi32, #tpu.memory_space<vmem>> -> memref<1x128xi32, #tpu.memory_space<vmem>>
      %dma_wait3A_391 = tpu.memref_squeeze %dma_wait3A_390 : memref<1x128xi32, #tpu.memory_space<vmem>> -> memref<128xi32, #tpu.memory_space<vmem>>
      %dma_wait3A_392 = arith.constant 0 : i32
      %dma_wait3A_393 = arith.constant 0 : i32
      %dma_wait3A_394 = tpu.memref_slice %arg3[%dma_wait3A_392, %dma_wait3A_393] : memref<100000x128xf32, #tpu.memory_space<hbm>> -> memref<100000x128xf32, #tpu.memory_space<hbm>>
      tpu.wait_indirect_dma semaphore(%arg13 : memref<!tpu.dma_semaphore, #tpu.memory_space<semaphore_mem>>) src(%dma_wait3A_394 : memref<100000x128xf32, #tpu.memory_space<hbm>>) dst(%arg8 : memref<128x128xf32, #tpu.memory_space<vmem>>)
      %dma_start3A_395 = arith.constant 0 : i32
      %dma_start3A_396 = arith.constant 0 : i32
      %dma_start3A_397 = arith.constant 0 : i32
      %dma_start3A_398 = tpu.memref_slice %arg4[%add3A, %dma_start3A_395, %dma_start3A_396, %dma_start3A_397] : memref<32x50x128x128xf32, #tpu.memory_space<hbm>> -> memref<1x50x128x128xf32, #tpu.memory_space<hbm>>
      %dma_start3A_399 = tpu.memref_squeeze %dma_start3A_398 : memref<1x50x128x128xf32, #tpu.memory_space<hbm>> -> memref<50x128x128xf32, #tpu.memory_space<hbm>>
      %dma_start3A_400 = arith.constant 0 : i32
      %dma_start3A_401 = arith.constant 0 : i32
      %dma_start3A_402 = tpu.memref_slice %dma_start3A_399[%add3A_388, %dma_start3A_400, %dma_start3A_401] : memref<50x128x128xf32, #tpu.memory_space<hbm>> -> memref<1x128x128xf32, #tpu.memory_space<hbm>>
      %dma_start3A_403 = tpu.memref_squeeze %dma_start3A_402 : memref<1x128x128xf32, #tpu.memory_space<hbm>> -> memref<128x128xf32, #tpu.memory_space<hbm>>
      %dma_start3A_404 = arith.constant 0 : i32
      %dma_start3A_405 = arith.constant 0 : i32
      %dma_start3A_406 = arith.constant 0 : i32
      %dma_start3A_407 = tpu.memref_slice %arg4[%add3A, %dma_start3A_404, %dma_start3A_405, %dma_start3A_406] : memref<32x50x128x128xf32, #tpu.memory_space<hbm>> -> memref<1x50x128x128xf32, #tpu.memory_space<hbm>>
      %dma_start3A_408 = tpu.memref_squeeze %dma_start3A_407 : memref<1x50x128x128xf32, #tpu.memory_space<hbm>> -> memref<50x128x128xf32, #tpu.memory_space<hbm>>
      %dma_start3A_409 = arith.constant 0 : i32
      %dma_start3A_410 = arith.constant 0 : i32
      %dma_start3A_411 = tpu.memref_slice %dma_start3A_408[%add3A_388, %dma_start3A_409, %dma_start3A_410] : memref<50x128x128xf32, #tpu.memory_space<hbm>> -> memref<1x128x128xf32, #tpu.memory_space<hbm>>
      %dma_start3A_412 = tpu.memref_squeeze %dma_start3A_411 : memref<1x128x128xf32, #tpu.memory_space<hbm>> -> memref<128x128xf32, #tpu.memory_space<hbm>>
      tpu.enqueue_dma source(%arg8 : memref<128x128xf32, #tpu.memory_space<vmem>>) target(%dma_start3A_412 : memref<128x128xf32, #tpu.memory_space<hbm>>) target_semaphore(%arg18 : memref<!tpu.dma_semaphore, #tpu.memory_space<semaphore_mem>>)
      %sub3A_413 = arith.constant 3 : i32
      %sub3A_414 = arith.subi %add3A_388, %sub3A_413 : i32
      %dma_wait3A_415 = arith.constant 0 : i32
      %dma_wait3A_416 = arith.constant 0 : i32
      %dma_wait3A_417 = arith.constant 0 : i32
      %dma_wait3A_418 = tpu.memref_slice %arg4[%add3A, %dma_wait3A_415, %dma_wait3A_416, %dma_wait3A_417] : memref<32x50x128x128xf32, #tpu.memory_space<hbm>> -> memref<1x50x128x128xf32, #tpu.memory_space<hbm>>
      %dma_wait3A_419 = tpu.memref_squeeze %dma_wait3A_418 : memref<1x50x128x128xf32, #tpu.memory_space<hbm>> -> memref<50x128x128xf32, #tpu.memory_space<hbm>>
      %dma_wait3A_420 = arith.constant 0 : i32
      %dma_wait3A_421 = arith.constant 0 : i32
      %dma_wait3A_422 = tpu.memref_slice %dma_wait3A_419[%sub3A_414, %dma_wait3A_420, %dma_wait3A_421] : memref<50x128x128xf32, #tpu.memory_space<hbm>> -> memref<1x128x128xf32, #tpu.memory_space<hbm>>
      %dma_wait3A_423 = tpu.memref_squeeze %dma_wait3A_422 : memref<1x128x128xf32, #tpu.memory_space<hbm>> -> memref<128x128xf32, #tpu.memory_space<hbm>>
      %dma_wait3A_424 = arith.constant 0 : i32
      %dma_wait3A_425 = arith.constant 0 : i32
      %dma_wait3A_426 = arith.constant 0 : i32
      %dma_wait3A_427 = tpu.memref_slice %arg4[%add3A, %dma_wait3A_424, %dma_wait3A_425, %dma_wait3A_426] : memref<32x50x128x128xf32, #tpu.memory_space<hbm>> -> memref<1x50x128x128xf32, #tpu.memory_space<hbm>>
      %dma_wait3A_428 = tpu.memref_squeeze %dma_wait3A_427 : memref<1x50x128x128xf32, #tpu.memory_space<hbm>> -> memref<50x128x128xf32, #tpu.memory_space<hbm>>
      %dma_wait3A_429 = arith.constant 0 : i32
      %dma_wait3A_430 = arith.constant 0 : i32
      %dma_wait3A_431 = tpu.memref_slice %dma_wait3A_428[%sub3A_414, %dma_wait3A_429, %dma_wait3A_430] : memref<50x128x128xf32, #tpu.memory_space<hbm>> -> memref<1x128x128xf32, #tpu.memory_space<hbm>>
      %dma_wait3A_432 = tpu.memref_squeeze %dma_wait3A_431 : memref<1x128x128xf32, #tpu.memory_space<hbm>> -> memref<128x128xf32, #tpu.memory_space<hbm>>
      tpu.wait_dma2 semaphore(%arg20 : memref<!tpu.dma_semaphore, #tpu.memory_space<semaphore_mem>>) src(%arg10 : memref<128x128xf32, #tpu.memory_space<vmem>>) dst(%dma_wait3A_432 : memref<128x128xf32, #tpu.memory_space<hbm>>)
      %add3A_433 = arith.constant 2 : i32
      %add3A_434 = arith.addi %add3A_388, %add3A_433 : i32
      %lt3A_435 = arith.constant 50 : i32
      %lt3A_436 = arith.cmpi slt, %add3A_434, %lt3A_435 : i32
      %convert_element_type3A_437 = arith.extui %lt3A_436 : i1 to i32
      %cond3A_438 = arith.constant 0 : i32
      %cond3A_439 = arith.cmpi ne, %convert_element_type3A_437, %cond3A_438 : i32
      scf.if %cond3A_439 {
        %add3A_550 = arith.constant 2 : i32
        %add3A_551 = arith.addi %add3A_388, %add3A_550 : i32
        %dma_start3A_552 = arith.constant 0 : i32
        %dma_start3A_553 = tpu.memref_slice %arg5[%add3A_551, %dma_start3A_552] : memref<50x128xi32, #tpu.memory_space<vmem>> -> memref<1x128xi32, #tpu.memory_space<vmem>>
        %dma_start3A_554 = tpu.memref_squeeze %dma_start3A_553 : memref<1x128xi32, #tpu.memory_space<vmem>> -> memref<128xi32, #tpu.memory_space<vmem>>
        %dma_start3A_555 = arith.constant 0 : i32
        %dma_start3A_556 = arith.constant 0 : i32
        %dma_start3A_557 = tpu.memref_slice %arg3[%dma_start3A_555, %dma_start3A_556] : memref<100000x128xf32, #tpu.memory_space<hbm>> -> memref<100000x128xf32, #tpu.memory_space<hbm>>
        tpu.enqueue_indirect_dma source(%dma_start3A_557 : memref<100000x128xf32, #tpu.memory_space<hbm>>) target(%arg10 : memref<128x128xf32, #tpu.memory_space<vmem>>) offsets(%dma_start3A_554 : memref<128xi32, #tpu.memory_space<vmem>>) semaphore(%arg15 : memref<!tpu.dma_semaphore, #tpu.memory_space<semaphore_mem>>)
      } else {
      }
      %mul3A_440 = arith.constant 5 : i32
      %mul3A_441 = arith.muli %scan3A_278, %mul3A_440 : i32
      %add3A_442 = arith.constant 3 : i32
      %add3A_443 = arith.addi %mul3A_441, %add3A_442 : i32
      %dma_wait3A_444 = arith.constant 0 : i32
      %dma_wait3A_445 = tpu.memref_slice %arg5[%add3A_443, %dma_wait3A_444] : memref<50x128xi32, #tpu.memory_space<vmem>> -> memref<1x128xi32, #tpu.memory_space<vmem>>
      %dma_wait3A_446 = tpu.memref_squeeze %dma_wait3A_445 : memref<1x128xi32, #tpu.memory_space<vmem>> -> memref<128xi32, #tpu.memory_space<vmem>>
      %dma_wait3A_447 = arith.constant 0 : i32
      %dma_wait3A_448 = arith.constant 0 : i32
      %dma_wait3A_449 = tpu.memref_slice %arg3[%dma_wait3A_447, %dma_wait3A_448] : memref<100000x128xf32, #tpu.memory_space<hbm>> -> memref<100000x128xf32, #tpu.memory_space<hbm>>
      tpu.wait_indirect_dma semaphore(%arg14 : memref<!tpu.dma_semaphore, #tpu.memory_space<semaphore_mem>>) src(%dma_wait3A_449 : memref<100000x128xf32, #tpu.memory_space<hbm>>) dst(%arg9 : memref<128x128xf32, #tpu.memory_space<vmem>>)
      %dma_start3A_450 = arith.constant 0 : i32
      %dma_start3A_451 = arith.constant 0 : i32
      %dma_start3A_452 = arith.constant 0 : i32
      %dma_start3A_453 = tpu.memref_slice %arg4[%add3A, %dma_start3A_450, %dma_start3A_451, %dma_start3A_452] : memref<32x50x128x128xf32, #tpu.memory_space<hbm>> -> memref<1x50x128x128xf32, #tpu.memory_space<hbm>>
      %dma_start3A_454 = tpu.memref_squeeze %dma_start3A_453 : memref<1x50x128x128xf32, #tpu.memory_space<hbm>> -> memref<50x128x128xf32, #tpu.memory_space<hbm>>
      %dma_start3A_455 = arith.constant 0 : i32
      %dma_start3A_456 = arith.constant 0 : i32
      %dma_start3A_457 = tpu.memref_slice %dma_start3A_454[%add3A_443, %dma_start3A_455, %dma_start3A_456] : memref<50x128x128xf32, #tpu.memory_space<hbm>> -> memref<1x128x128xf32, #tpu.memory_space<hbm>>
      %dma_start3A_458 = tpu.memref_squeeze %dma_start3A_457 : memref<1x128x128xf32, #tpu.memory_space<hbm>> -> memref<128x128xf32, #tpu.memory_space<hbm>>
      %dma_start3A_459 = arith.constant 0 : i32
      %dma_start3A_460 = arith.constant 0 : i32
      %dma_start3A_461 = arith.constant 0 : i32
      %dma_start3A_462 = tpu.memref_slice %arg4[%add3A, %dma_start3A_459, %dma_start3A_460, %dma_start3A_461] : memref<32x50x128x128xf32, #tpu.memory_space<hbm>> -> memref<1x50x128x128xf32, #tpu.memory_space<hbm>>
      %dma_start3A_463 = tpu.memref_squeeze %dma_start3A_462 : memref<1x50x128x128xf32, #tpu.memory_space<hbm>> -> memref<50x128x128xf32, #tpu.memory_space<hbm>>
      %dma_start3A_464 = arith.constant 0 : i32
      %dma_start3A_465 = arith.constant 0 : i32
      %dma_start3A_466 = tpu.memref_slice %dma_start3A_463[%add3A_443, %dma_start3A_464, %dma_start3A_465] : memref<50x128x128xf32, #tpu.memory_space<hbm>> -> memref<1x128x128xf32, #tpu.memory_space<hbm>>
      %dma_start3A_467 = tpu.memref_squeeze %dma_start3A_466 : memref<1x128x128xf32, #tpu.memory_space<hbm>> -> memref<128x128xf32, #tpu.memory_space<hbm>>
      tpu.enqueue_dma source(%arg9 : memref<128x128xf32, #tpu.memory_space<vmem>>) target(%dma_start3A_467 : memref<128x128xf32, #tpu.memory_space<hbm>>) target_semaphore(%arg19 : memref<!tpu.dma_semaphore, #tpu.memory_space<semaphore_mem>>)
      %sub3A_468 = arith.constant 3 : i32
      %sub3A_469 = arith.subi %add3A_443, %sub3A_468 : i32
      %dma_wait3A_470 = arith.constant 0 : i32
      %dma_wait3A_471 = arith.constant 0 : i32
      %dma_wait3A_472 = arith.constant 0 : i32
      %dma_wait3A_473 = tpu.memref_slice %arg4[%add3A, %dma_wait3A_470, %dma_wait3A_471, %dma_wait3A_472] : memref<32x50x128x128xf32, #tpu.memory_space<hbm>> -> memref<1x50x128x128xf32, #tpu.memory_space<hbm>>
      %dma_wait3A_474 = tpu.memref_squeeze %dma_wait3A_473 : memref<1x50x128x128xf32, #tpu.memory_space<hbm>> -> memref<50x128x128xf32, #tpu.memory_space<hbm>>
      %dma_wait3A_475 = arith.constant 0 : i32
      %dma_wait3A_476 = arith.constant 0 : i32
      %dma_wait3A_477 = tpu.memref_slice %dma_wait3A_474[%sub3A_469, %dma_wait3A_475, %dma_wait3A_476] : memref<50x128x128xf32, #tpu.memory_space<hbm>> -> memref<1x128x128xf32, #tpu.memory_space<hbm>>
      %dma_wait3A_478 = tpu.memref_squeeze %dma_wait3A_477 : memref<1x128x128xf32, #tpu.memory_space<hbm>> -> memref<128x128xf32, #tpu.memory_space<hbm>>
      %dma_wait3A_479 = arith.constant 0 : i32
      %dma_wait3A_480 = arith.constant 0 : i32
      %dma_wait3A_481 = arith.constant 0 : i32
      %dma_wait3A_482 = tpu.memref_slice %arg4[%add3A, %dma_wait3A_479, %dma_wait3A_480, %dma_wait3A_481] : memref<32x50x128x128xf32, #tpu.memory_space<hbm>> -> memref<1x50x128x128xf32, #tpu.memory_space<hbm>>
      %dma_wait3A_483 = tpu.memref_squeeze %dma_wait3A_482 : memref<1x50x128x128xf32, #tpu.memory_space<hbm>> -> memref<50x128x128xf32, #tpu.memory_space<hbm>>
      %dma_wait3A_484 = arith.constant 0 : i32
      %dma_wait3A_485 = arith.constant 0 : i32
      %dma_wait3A_486 = tpu.memref_slice %dma_wait3A_483[%sub3A_469, %dma_wait3A_484, %dma_wait3A_485] : memref<50x128x128xf32, #tpu.memory_space<hbm>> -> memref<1x128x128xf32, #tpu.memory_space<hbm>>
      %dma_wait3A_487 = tpu.memref_squeeze %dma_wait3A_486 : memref<1x128x128xf32, #tpu.memory_space<hbm>> -> memref<128x128xf32, #tpu.memory_space<hbm>>
      tpu.wait_dma2 semaphore(%arg16 : memref<!tpu.dma_semaphore, #tpu.memory_space<semaphore_mem>>) src(%arg6 : memref<128x128xf32, #tpu.memory_space<vmem>>) dst(%dma_wait3A_487 : memref<128x128xf32, #tpu.memory_space<hbm>>)
      %add3A_488 = arith.constant 2 : i32
      %add3A_489 = arith.addi %add3A_443, %add3A_488 : i32
      %lt3A_490 = arith.constant 50 : i32
      %lt3A_491 = arith.cmpi slt, %add3A_489, %lt3A_490 : i32
      %convert_element_type3A_492 = arith.extui %lt3A_491 : i1 to i32
      %cond3A_493 = arith.constant 0 : i32
      %cond3A_494 = arith.cmpi ne, %convert_element_type3A_492, %cond3A_493 : i32
      scf.if %cond3A_494 {
        %add3A_550 = arith.constant 2 : i32
        %add3A_551 = arith.addi %add3A_443, %add3A_550 : i32
        %dma_start3A_552 = arith.constant 0 : i32
        %dma_start3A_553 = tpu.memref_slice %arg5[%add3A_551, %dma_start3A_552] : memref<50x128xi32, #tpu.memory_space<vmem>> -> memref<1x128xi32, #tpu.memory_space<vmem>>
        %dma_start3A_554 = tpu.memref_squeeze %dma_start3A_553 : memref<1x128xi32, #tpu.memory_space<vmem>> -> memref<128xi32, #tpu.memory_space<vmem>>
        %dma_start3A_555 = arith.constant 0 : i32
        %dma_start3A_556 = arith.constant 0 : i32
        %dma_start3A_557 = tpu.memref_slice %arg3[%dma_start3A_555, %dma_start3A_556] : memref<100000x128xf32, #tpu.memory_space<hbm>> -> memref<100000x128xf32, #tpu.memory_space<hbm>>
        tpu.enqueue_indirect_dma source(%dma_start3A_557 : memref<100000x128xf32, #tpu.memory_space<hbm>>) target(%arg6 : memref<128x128xf32, #tpu.memory_space<vmem>>) offsets(%dma_start3A_554 : memref<128xi32, #tpu.memory_space<vmem>>) semaphore(%arg11 : memref<!tpu.dma_semaphore, #tpu.memory_space<semaphore_mem>>)
      } else {
      }
      %mul3A_495 = arith.constant 5 : i32
      %mul3A_496 = arith.muli %scan3A_278, %mul3A_495 : i32
      %add3A_497 = arith.constant 4 : i32
      %add3A_498 = arith.addi %mul3A_496, %add3A_497 : i32
      %dma_wait3A_499 = arith.constant 0 : i32
      %dma_wait3A_500 = tpu.memref_slice %arg5[%add3A_498, %dma_wait3A_499] : memref<50x128xi32, #tpu.memory_space<vmem>> -> memref<1x128xi32, #tpu.memory_space<vmem>>
      %dma_wait3A_501 = tpu.memref_squeeze %dma_wait3A_500 : memref<1x128xi32, #tpu.memory_space<vmem>> -> memref<128xi32, #tpu.memory_space<vmem>>
      %dma_wait3A_502 = arith.constant 0 : i32
      %dma_wait3A_503 = arith.constant 0 : i32
      %dma_wait3A_504 = tpu.memref_slice %arg3[%dma_wait3A_502, %dma_wait3A_503] : memref<100000x128xf32, #tpu.memory_space<hbm>> -> memref<100000x128xf32, #tpu.memory_space<hbm>>
      tpu.wait_indirect_dma semaphore(%arg15 : memref<!tpu.dma_semaphore, #tpu.memory_space<semaphore_mem>>) src(%dma_wait3A_504 : memref<100000x128xf32, #tpu.memory_space<hbm>>) dst(%arg10 : memref<128x128xf32, #tpu.memory_space<vmem>>)
      %dma_start3A_505 = arith.constant 0 : i32
      %dma_start3A_506 = arith.constant 0 : i32
      %dma_start3A_507 = arith.constant 0 : i32
      %dma_start3A_508 = tpu.memref_slice %arg4[%add3A, %dma_start3A_505, %dma_start3A_506, %dma_start3A_507] : memref<32x50x128x128xf32, #tpu.memory_space<hbm>> -> memref<1x50x128x128xf32, #tpu.memory_space<hbm>>
      %dma_start3A_509 = tpu.memref_squeeze %dma_start3A_508 : memref<1x50x128x128xf32, #tpu.memory_space<hbm>> -> memref<50x128x128xf32, #tpu.memory_space<hbm>>
      %dma_start3A_510 = arith.constant 0 : i32
      %dma_start3A_511 = arith.constant 0 : i32
      %dma_start3A_512 = tpu.memref_slice %dma_start3A_509[%add3A_498, %dma_start3A_510, %dma_start3A_511] : memref<50x128x128xf32, #tpu.memory_space<hbm>> -> memref<1x128x128xf32, #tpu.memory_space<hbm>>
      %dma_start3A_513 = tpu.memref_squeeze %dma_start3A_512 : memref<1x128x128xf32, #tpu.memory_space<hbm>> -> memref<128x128xf32, #tpu.memory_space<hbm>>
      %dma_start3A_514 = arith.constant 0 : i32
      %dma_start3A_515 = arith.constant 0 : i32
      %dma_start3A_516 = arith.constant 0 : i32
      %dma_start3A_517 = tpu.memref_slice %arg4[%add3A, %dma_start3A_514, %dma_start3A_515, %dma_start3A_516] : memref<32x50x128x128xf32, #tpu.memory_space<hbm>> -> memref<1x50x128x128xf32, #tpu.memory_space<hbm>>
      %dma_start3A_518 = tpu.memref_squeeze %dma_start3A_517 : memref<1x50x128x128xf32, #tpu.memory_space<hbm>> -> memref<50x128x128xf32, #tpu.memory_space<hbm>>
      %dma_start3A_519 = arith.constant 0 : i32
      %dma_start3A_520 = arith.constant 0 : i32
      %dma_start3A_521 = tpu.memref_slice %dma_start3A_518[%add3A_498, %dma_start3A_519, %dma_start3A_520] : memref<50x128x128xf32, #tpu.memory_space<hbm>> -> memref<1x128x128xf32, #tpu.memory_space<hbm>>
      %dma_start3A_522 = tpu.memref_squeeze %dma_start3A_521 : memref<1x128x128xf32, #tpu.memory_space<hbm>> -> memref<128x128xf32, #tpu.memory_space<hbm>>
      tpu.enqueue_dma source(%arg10 : memref<128x128xf32, #tpu.memory_space<vmem>>) target(%dma_start3A_522 : memref<128x128xf32, #tpu.memory_space<hbm>>) target_semaphore(%arg20 : memref<!tpu.dma_semaphore, #tpu.memory_space<semaphore_mem>>)
      %sub3A_523 = arith.constant 3 : i32
      %sub3A_524 = arith.subi %add3A_498, %sub3A_523 : i32
      %dma_wait3A_525 = arith.constant 0 : i32
      %dma_wait3A_526 = arith.constant 0 : i32
      %dma_wait3A_527 = arith.constant 0 : i32
      %dma_wait3A_528 = tpu.memref_slice %arg4[%add3A, %dma_wait3A_525, %dma_wait3A_526, %dma_wait3A_527] : memref<32x50x128x128xf32, #tpu.memory_space<hbm>> -> memref<1x50x128x128xf32, #tpu.memory_space<hbm>>
      %dma_wait3A_529 = tpu.memref_squeeze %dma_wait3A_528 : memref<1x50x128x128xf32, #tpu.memory_space<hbm>> -> memref<50x128x128xf32, #tpu.memory_space<hbm>>
      %dma_wait3A_530 = arith.constant 0 : i32
      %dma_wait3A_531 = arith.constant 0 : i32
      %dma_wait3A_532 = tpu.memref_slice %dma_wait3A_529[%sub3A_524, %dma_wait3A_530, %dma_wait3A_531] : memref<50x128x128xf32, #tpu.memory_space<hbm>> -> memref<1x128x128xf32, #tpu.memory_space<hbm>>
      %dma_wait3A_533 = tpu.memref_squeeze %dma_wait3A_532 : memref<1x128x128xf32, #tpu.memory_space<hbm>> -> memref<128x128xf32, #tpu.memory_space<hbm>>
      %dma_wait3A_534 = arith.constant 0 : i32
      %dma_wait3A_535 = arith.constant 0 : i32
      %dma_wait3A_536 = arith.constant 0 : i32
      %dma_wait3A_537 = tpu.memref_slice %arg4[%add3A, %dma_wait3A_534, %dma_wait3A_535, %dma_wait3A_536] : memref<32x50x128x128xf32, #tpu.memory_space<hbm>> -> memref<1x50x128x128xf32, #tpu.memory_space<hbm>>
      %dma_wait3A_538 = tpu.memref_squeeze %dma_wait3A_537 : memref<1x50x128x128xf32, #tpu.memory_space<hbm>> -> memref<50x128x128xf32, #tpu.memory_space<hbm>>
      %dma_wait3A_539 = arith.constant 0 : i32
      %dma_wait3A_540 = arith.constant 0 : i32
      %dma_wait3A_541 = tpu.memref_slice %dma_wait3A_538[%sub3A_524, %dma_wait3A_539, %dma_wait3A_540] : memref<50x128x128xf32, #tpu.memory_space<hbm>> -> memref<1x128x128xf32, #tpu.memory_space<hbm>>
      %dma_wait3A_542 = tpu.memref_squeeze %dma_wait3A_541 : memref<1x128x128xf32, #tpu.memory_space<hbm>> -> memref<128x128xf32, #tpu.memory_space<hbm>>
      tpu.wait_dma2 semaphore(%arg17 : memref<!tpu.dma_semaphore, #tpu.memory_space<semaphore_mem>>) src(%arg7 : memref<128x128xf32, #tpu.memory_space<vmem>>) dst(%dma_wait3A_542 : memref<128x128xf32, #tpu.memory_space<hbm>>)
      %add3A_543 = arith.constant 2 : i32
      %add3A_544 = arith.addi %add3A_498, %add3A_543 : i32
      %lt3A_545 = arith.constant 50 : i32
      %lt3A_546 = arith.cmpi slt, %add3A_544, %lt3A_545 : i32
      %convert_element_type3A_547 = arith.extui %lt3A_546 : i1 to i32
      %cond3A_548 = arith.constant 0 : i32
      %cond3A_549 = arith.cmpi ne, %convert_element_type3A_547, %cond3A_548 : i32
      scf.if %cond3A_549 {
        %add3A_550 = arith.constant 2 : i32
        %add3A_551 = arith.addi %add3A_498, %add3A_550 : i32
        %dma_start3A_552 = arith.constant 0 : i32
        %dma_start3A_553 = tpu.memref_slice %arg5[%add3A_551, %dma_start3A_552] : memref<50x128xi32, #tpu.memory_space<vmem>> -> memref<1x128xi32, #tpu.memory_space<vmem>>
        %dma_start3A_554 = tpu.memref_squeeze %dma_start3A_553 : memref<1x128xi32, #tpu.memory_space<vmem>> -> memref<128xi32, #tpu.memory_space<vmem>>
        %dma_start3A_555 = arith.constant 0 : i32
        %dma_start3A_556 = arith.constant 0 : i32
        %dma_start3A_557 = tpu.memref_slice %arg3[%dma_start3A_555, %dma_start3A_556] : memref<100000x128xf32, #tpu.memory_space<hbm>> -> memref<100000x128xf32, #tpu.memory_space<hbm>>
        tpu.enqueue_indirect_dma source(%dma_start3A_557 : memref<100000x128xf32, #tpu.memory_space<hbm>>) target(%arg7 : memref<128x128xf32, #tpu.memory_space<vmem>>) offsets(%dma_start3A_554 : memref<128xi32, #tpu.memory_space<vmem>>) semaphore(%arg12 : memref<!tpu.dma_semaphore, #tpu.memory_space<semaphore_mem>>)
      } else {
      }
    }
    %scan3A_220 = arith.constant 9 : i32
    %dma_wait3A_221 = arith.constant 47 : i32
    %dma_wait3A_222 = arith.constant 0 : i32
    %dma_wait3A_223 = arith.constant 0 : i32
    %dma_wait3A_224 = arith.constant 0 : i32
    %dma_wait3A_225 = tpu.memref_slice %arg4[%add3A, %dma_wait3A_222, %dma_wait3A_223, %dma_wait3A_224] : memref<32x50x128x128xf32, #tpu.memory_space<hbm>> -> memref<1x50x128x128xf32, #tpu.memory_space<hbm>>
    %dma_wait3A_226 = tpu.memref_squeeze %dma_wait3A_225 : memref<1x50x128x128xf32, #tpu.memory_space<hbm>> -> memref<50x128x128xf32, #tpu.memory_space<hbm>>
    %dma_wait3A_227 = arith.constant 0 : i32
    %dma_wait3A_228 = arith.constant 0 : i32
    %dma_wait3A_229 = tpu.memref_slice %dma_wait3A_226[%dma_wait3A_221, %dma_wait3A_227, %dma_wait3A_228] : memref<50x128x128xf32, #tpu.memory_space<hbm>> -> memref<1x128x128xf32, #tpu.memory_space<hbm>>
    %dma_wait3A_230 = tpu.memref_squeeze %dma_wait3A_229 : memref<1x128x128xf32, #tpu.memory_space<hbm>> -> memref<128x128xf32, #tpu.memory_space<hbm>>
    %dma_wait3A_231 = arith.constant 0 : i32
    %dma_wait3A_232 = arith.constant 0 : i32
    %dma_wait3A_233 = arith.constant 0 : i32
    %dma_wait3A_234 = tpu.memref_slice %arg4[%add3A, %dma_wait3A_231, %dma_wait3A_232, %dma_wait3A_233] : memref<32x50x128x128xf32, #tpu.memory_space<hbm>> -> memref<1x50x128x128xf32, #tpu.memory_space<hbm>>
    %dma_wait3A_235 = tpu.memref_squeeze %dma_wait3A_234 : memref<1x50x128x128xf32, #tpu.memory_space<hbm>> -> memref<50x128x128xf32, #tpu.memory_space<hbm>>
    %dma_wait3A_236 = arith.constant 0 : i32
    %dma_wait3A_237 = arith.constant 0 : i32
    %dma_wait3A_238 = tpu.memref_slice %dma_wait3A_235[%dma_wait3A_221, %dma_wait3A_236, %dma_wait3A_237] : memref<50x128x128xf32, #tpu.memory_space<hbm>> -> memref<1x128x128xf32, #tpu.memory_space<hbm>>
    %dma_wait3A_239 = tpu.memref_squeeze %dma_wait3A_238 : memref<1x128x128xf32, #tpu.memory_space<hbm>> -> memref<128x128xf32, #tpu.memory_space<hbm>>
    tpu.wait_dma2 semaphore(%arg18 : memref<!tpu.dma_semaphore, #tpu.memory_space<semaphore_mem>>) src(%arg8 : memref<128x128xf32, #tpu.memory_space<vmem>>) dst(%dma_wait3A_239 : memref<128x128xf32, #tpu.memory_space<hbm>>)
    %dma_wait3A_240 = arith.constant 48 : i32
    %dma_wait3A_241 = arith.constant 0 : i32
    %dma_wait3A_242 = arith.constant 0 : i32
    %dma_wait3A_243 = arith.constant 0 : i32
    %dma_wait3A_244 = tpu.memref_slice %arg4[%add3A, %dma_wait3A_241, %dma_wait3A_242, %dma_wait3A_243] : memref<32x50x128x128xf32, #tpu.memory_space<hbm>> -> memref<1x50x128x128xf32, #tpu.memory_space<hbm>>
    %dma_wait3A_245 = tpu.memref_squeeze %dma_wait3A_244 : memref<1x50x128x128xf32, #tpu.memory_space<hbm>> -> memref<50x128x128xf32, #tpu.memory_space<hbm>>
    %dma_wait3A_246 = arith.constant 0 : i32
    %dma_wait3A_247 = arith.constant 0 : i32
    %dma_wait3A_248 = tpu.memref_slice %dma_wait3A_245[%dma_wait3A_240, %dma_wait3A_246, %dma_wait3A_247] : memref<50x128x128xf32, #tpu.memory_space<hbm>> -> memref<1x128x128xf32, #tpu.memory_space<hbm>>
    %dma_wait3A_249 = tpu.memref_squeeze %dma_wait3A_248 : memref<1x128x128xf32, #tpu.memory_space<hbm>> -> memref<128x128xf32, #tpu.memory_space<hbm>>
    %dma_wait3A_250 = arith.constant 0 : i32
    %dma_wait3A_251 = arith.constant 0 : i32
    %dma_wait3A_252 = arith.constant 0 : i32
    %dma_wait3A_253 = tpu.memref_slice %arg4[%add3A, %dma_wait3A_250, %dma_wait3A_251, %dma_wait3A_252] : memref<32x50x128x128xf32, #tpu.memory_space<hbm>> -> memref<1x50x128x128xf32, #tpu.memory_space<hbm>>
    %dma_wait3A_254 = tpu.memref_squeeze %dma_wait3A_253 : memref<1x50x128x128xf32, #tpu.memory_space<hbm>> -> memref<50x128x128xf32, #tpu.memory_space<hbm>>
    %dma_wait3A_255 = arith.constant 0 : i32
    %dma_wait3A_256 = arith.constant 0 : i32
    %dma_wait3A_257 = tpu.memref_slice %dma_wait3A_254[%dma_wait3A_240, %dma_wait3A_255, %dma_wait3A_256] : memref<50x128x128xf32, #tpu.memory_space<hbm>> -> memref<1x128x128xf32, #tpu.memory_space<hbm>>
    %dma_wait3A_258 = tpu.memref_squeeze %dma_wait3A_257 : memref<1x128x128xf32, #tpu.memory_space<hbm>> -> memref<128x128xf32, #tpu.memory_space<hbm>>
    tpu.wait_dma2 semaphore(%arg19 : memref<!tpu.dma_semaphore, #tpu.memory_space<semaphore_mem>>) src(%arg9 : memref<128x128xf32, #tpu.memory_space<vmem>>) dst(%dma_wait3A_258 : memref<128x128xf32, #tpu.memory_space<hbm>>)
    %dma_wait3A_259 = arith.constant 49 : i32
    %dma_wait3A_260 = arith.constant 0 : i32
    %dma_wait3A_261 = arith.constant 0 : i32
    %dma_wait3A_262 = arith.constant 0 : i32
    %dma_wait3A_263 = tpu.memref_slice %arg4[%add3A, %dma_wait3A_260, %dma_wait3A_261, %dma_wait3A_262] : memref<32x50x128x128xf32, #tpu.memory_space<hbm>> -> memref<1x50x128x128xf32, #tpu.memory_space<hbm>>
    %dma_wait3A_264 = tpu.memref_squeeze %dma_wait3A_263 : memref<1x50x128x128xf32, #tpu.memory_space<hbm>> -> memref<50x128x128xf32, #tpu.memory_space<hbm>>
    %dma_wait3A_265 = arith.constant 0 : i32
    %dma_wait3A_266 = arith.constant 0 : i32
    %dma_wait3A_267 = tpu.memref_slice %dma_wait3A_264[%dma_wait3A_259, %dma_wait3A_265, %dma_wait3A_266] : memref<50x128x128xf32, #tpu.memory_space<hbm>> -> memref<1x128x128xf32, #tpu.memory_space<hbm>>
    %dma_wait3A_268 = tpu.memref_squeeze %dma_wait3A_267 : memref<1x128x128xf32, #tpu.memory_space<hbm>> -> memref<128x128xf32, #tpu.memory_space<hbm>>
    %dma_wait3A_269 = arith.constant 0 : i32
    %dma_wait3A_270 = arith.constant 0 : i32
    %dma_wait3A_271 = arith.constant 0 : i32
    %dma_wait3A_272 = tpu.memref_slice %arg4[%add3A, %dma_wait3A_269, %dma_wait3A_270, %dma_wait3A_271] : memref<32x50x128x128xf32, #tpu.memory_space<hbm>> -> memref<1x50x128x128xf32, #tpu.memory_space<hbm>>
    %dma_wait3A_273 = tpu.memref_squeeze %dma_wait3A_272 : memref<1x50x128x128xf32, #tpu.memory_space<hbm>> -> memref<50x128x128xf32, #tpu.memory_space<hbm>>
    %dma_wait3A_274 = arith.constant 0 : i32
    %dma_wait3A_275 = arith.constant 0 : i32
    %dma_wait3A_276 = tpu.memref_slice %dma_wait3A_273[%dma_wait3A_259, %dma_wait3A_274, %dma_wait3A_275] : memref<50x128x128xf32, #tpu.memory_space<hbm>> -> memref<1x128x128xf32, #tpu.memory_space<hbm>>
    %dma_wait3A_277 = tpu.memref_squeeze %dma_wait3A_276 : memref<1x128x128xf32, #tpu.memory_space<hbm>> -> memref<128x128xf32, #tpu.memory_space<hbm>>
    tpu.wait_dma2 semaphore(%arg20 : memref<!tpu.dma_semaphore, #tpu.memory_space<semaphore_mem>>) src(%arg10 : memref<128x128xf32, #tpu.memory_space<vmem>>) dst(%dma_wait3A_277 : memref<128x128xf32, #tpu.memory_space<hbm>>)
    return
  }
}

</mosaic_0001>

<sc_bundles>
// kernel: kernel.3.cloned.1.call-start
scs
__scs_entry_jumppad:
0x0: {  	(pc) =	sbr.rel $0x88, $3  }
0x1: {  	(tag) =	ssettag $0x0;
	lr =	simm.s32 $0x1  }
0x2: {  	[smem:$0x3F9F] =	sst lr;
	_ =	strace $0xD0000000  }
0x3: {  	_ = 	snop  }
0x4: {  	_ = 	snop  }
0x5: {  	_ = 	snop  }
0x6: {  	_ = 	snop  }
0x7: {  	_ = 	snop  }
__scs_overlays_trampoline_lowered:
0x8: {  	[smem:$0x3FAE] =	sst s0  }
0x9: {  	[smem:$0x3FAF] =	sst s1  }
0xa: {  	[smem:$0x3FB0] =	sst s2  }
0xb: {  	[smem:$0x3FB1] =	sst s3  }
0xc: {  	[smem:$0x3FB2] =	sst s4  }
0xd: {  	[smem:$0x3FB3] =	sst s5  }
0xe: {  	[smem:$0x3FB4] =	sst s6  }
0xf: {  	[smem:$0x3FB5] =	sst s7  }
0x10: {  	[smem:$0x3FB6] =	sst s8  }
0x11: {  	[smem:$0x3FB7] =	sst s9;
	s0 =	simm.s32 @!p0 $0x0  }
0x12: {  	s1 =	sld [smem:$0x3F9D];
	s0 =	simm.s32 @p0 $0x1  }
0x13: {  	[smem:$0x3FB8] =	sst s0;
	s0 =	simm.s32 @!p1 $0x0  }
0x14: {  	s2 =	sld [smem:$0x3F9C];
	s0 =	simm.s32 @p1 $0x1  }
0x15: {  	[smem:$0x3FB9] =	sst s0;
	s0 =	simm.s32 @!p2 $0x0  }
0x16: {  	s3 =	sld [smem:$0x3FDB];
	s0 =	simm.s32 @p2 $0x1  }
0x17: {  	s4 =	simm.s32 $0x1BF5;
	[smem:$0x3FBB] =	sst s0  }
0x18: {  	s0 =	sld [smem:$0x3F9E];
	_ =	swait.ge [sflag:s4], $0x0  }
0x19: {  	s7 =	sld [smem:$0x3F9F]  }
0x1a: {  	s8 =	sadd.s32 $0xFFFFE003, lr  }
0x1b: {  	s9 =	sadd.s32 $0xFFFFFEF7, lr;
	s5 =	simm.s32 $0xFFFFFFFF;
	p2 =	slt.u32 s8, $0xFFFFF086  }
0x1c: {  	p1 =	slt.u32 s9, $0xF7A;
	s5 =	simm.s32 @!p2 $0x0  }
0x1d: {  	s5 =	simm.s32 @p1 $0x1;
	p0 =	seq.s32 s7, s2  }
0x1e: {  	s7 =	smul.u32 @!p0 $0xF7A, s2;
	p2 =	seq.s32 @!p0 s5, $0x0  }
0x1f: {  	s9 =	smul.u32 $0xF7A, s1;
	s8 =	simm.s32 @!p0 $0x1BF5;
	p2 =	por !p2, p0  }
0x20: {  	[sflag:s8] =	ssyncset.s32 @!p0 $0xFFFFF086;
	s6 =	sadd.s32 @!p0 s3, s7;
	s7 =	simm.s32 @!p0 $0x108  }
0x21: {  	s3 =	sadd.s32 s3, s9;
	s6 =	sadd.s32 @!p0 $0x88, s6;
	s7 =	simm.s32 @p2 $0x1082  }
0x22: {  	[simem:s7], [sflag:s8] =	dma.local @!p0 [hbm:s6], $0xF7A  }
0x23: {  	s9 =	sor.u32 $0xD0000000, s2;
	s6 =	simm.s32 $0x108;
	_ =	swait.ge @!p0 [sflag:s8], $0x0  }
0x24: {  	s3 =	sadd.s32 $0x88, s3;
	s6 =	simm.s32 @!p1 $0x1082;
	[sflag:s4] =	ssyncset.s32 $0xFFFFF086  }
0x25: {  	[simem:s6], [sflag:s4] =	dma.local [hbm:s3], $0xF7A  }
0x26: {  	[smem:$0x3F9F] =	sst s1;
	(tag) =	ssettag s2;
	_ =	strace s9  }
0x27: {  	s1 =	sld [smem:$0x3FAF]  }
0x28: {  	s2 =	sld [smem:$0x3FB0]  }
0x29: {  	s4 =	sld [smem:$0x3FB2]  }
0x2a: {  	p0 =	seq.s32 s5, $0x0;
	s5 =	sld [smem:$0x3FB3]  }
0x2b: {  	s6 =	sld [smem:$0x3FB4]  }
0x2c: {  	s7 =	sld [smem:$0x3FB5]  }
0x2d: {  	s3 =	simm.s32 $0x108;
	s8 =	sld [smem:$0x3FB6]  }
0x2e: {  	s3 =	simm.s32 @!p0 $0x1082;
	s9 =	sld [smem:$0x3FB7]  }
0x2f: {  	lr =	sadd.s32 s0, s3;
	s0 =	sld [smem:$0x3FAE]  }
0x30: {  	s3 =	sld [smem:$0x3FB1]  }
0x31: {  	[smem:$0x3FBA] =	sst s10  }
0x32: {  	s10 =	sld [smem:$0x3FB8];
	_ =	sdelay $0x3  }
0x33: {  	p0 =	seq.s32 s10, $0x1;
	s10 =	sld [smem:$0x3FBA];
	_ =	sdelay $0x3  }
0x34: {  	[smem:$0x3FBA] =	sst s10  }
0x35: {  	s10 =	sld [smem:$0x3FB9];
	_ =	sdelay $0x3  }
0x36: {  	p1 =	seq.s32 s10, $0x1;
	s10 =	sld [smem:$0x3FBA];
	_ =	sdelay $0x3  }
0x37: {  	[smem:$0x3FBA] =	sst s10  }
0x38: {  	s10 =	sld [smem:$0x3FBB]  }
0x39: {  	_ = 	snop;
	(pc) =	sbr.ind lr, $3  }
0x3a: {  	_ = 	snop  }
0x3b: {  	_ = 	snop  }
0x3c: {  	p2 =	seq.s32 s10, $0x1;
	s10 =	sld [smem:$0x3FBA]  }
0x3d: {  	_ =	shalt  }
0x3e: {  	_ =	shalt  }
0x3f: {  	_ =	shalt  }
0x40: {  	_ =	shalt  }
0x41: {  	_ =	shalt  }
0x42: {  	_ =	shalt  }
0x43: {  	_ =	shalt  }
0x44: {  	_ =	shalt  }
0x45: {  	_ =	shalt  }
0x46: {  	_ =	shalt  }
0x47: {  	_ =	shalt  }
0x48: {  	_ =	shalt  }
0x49: {  	_ =	shalt  }
0x4a: {  	_ =	shalt  }
0x4b: {  	_ =	shalt  }
0x4c: {  	_ =	shalt  }
0x4d: {  	_ =	shalt  }
0x4e: {  	_ =	shalt  }
0x4f: {  	_ =	shalt  }
0x50: {  	_ =	shalt  }
0x51: {  	_ =	shalt  }
0x52: {  	_ =	shalt  }
0x53: {  	_ =	shalt  }
0x54: {  	_ =	shalt  }
0x55: {  	_ =	shalt  }
0x56: {  	_ =	shalt  }
0x57: {  	_ =	shalt  }
0x58: {  	_ =	shalt  }
0x59: {  	_ =	shalt  }
0x5a: {  	_ =	shalt  }
0x5b: {  	_ =	shalt  }
0x5c: {  	_ =	shalt  }
0x5d: {  	_ =	shalt  }
0x5e: {  	_ =	shalt  }
0x5f: {  	_ =	shalt  }
0x60: {  	_ =	shalt  }
0x61: {  	_ =	shalt  }
0x62: {  	_ =	shalt  }
0x63: {  	_ =	shalt  }
0x64: {  	_ =	shalt  }
0x65: {  	_ =	shalt  }
0x66: {  	_ =	shalt  }
0x67: {  	_ =	shalt  }
0x68: {  	_ =	shalt  }
0x69: {  	_ =	shalt  }
0x6a: {  	_ =	shalt  }
0x6b: {  	_ =	shalt  }
0x6c: {  	_ =	shalt  }
0x6d: {  	_ =	shalt  }
0x6e: {  	_ =	shalt  }
0x6f: {  	_ =	shalt  }
0x70: {  	_ =	shalt  }
0x71: {  	_ =	shalt  }
0x72: {  	_ =	shalt  }
0x73: {  	_ =	shalt  }
0x74: {  	_ =	shalt  }
0x75: {  	_ =	shalt  }
0x76: {  	_ =	shalt  }
0x77: {  	_ =	shalt  }
0x78: {  	_ =	shalt  }
0x79: {  	_ =	shalt  }
0x7a: {  	_ =	shalt  }
0x7b: {  	_ =	shalt  }
0x7c: {  	_ =	shalt  }
0x7d: {  	_ =	shalt  }
0x7e: {  	_ =	shalt  }
0x7f: {  	_ =	shalt  }
0x80: {  	_ =	shalt  }
0x81: {  	_ =	shalt  }
0x82: {  	_ =	shalt  }
0x83: {  	_ =	shalt  }
0x84: {  	_ =	shalt  }
0x85: {  	_ =	shalt  }
0x86: {  	_ =	shalt  }
0x87: {  	_ =	shalt  }
.Lfunc_end0:
.L_simem_size_0:
called_computation_lowered:
.L_overlay_start_0:
0x88: {  	s2 =	sld [smem:$0x3FD9]  }
0x89: {  	s3 =	sld [smem:$0x3FFE];
	_ =	sdelay $0x1  }
0x8a: {  	s1 =	srdreg.scid  }
0x8b: {  	s0 =	sand.u32 $0x1, s1  }
0x8c: {  	s17 =	sshll.u32 s0, $0xA;
	s2 =	sadd.s32 s3, s2  }
0x8d: {  	s2 =	sadd.s32 s2, s17  }
0x8e: {  	[smem:$0x3FC6] =	sst s2  }
0x8f: {  	_ = 	snop  }
0x90: {  	s2 =	sld [smem:$0x3FC8]  }
0x91: {  	s18 =	sld [smem:$0x3FD0];
	(tm) =	ssettm $0x1  }
0x92: {  	s4 =	sld [smem:$0x3FFB];
	_ =	sdelay $0x3  }
0x93: {  	_ =	strace s4  }
0x94: {  	s4 =	sld [smem:$0x3FFC];
	_ =	sdelay $0x3  }
0x95: {  	_ =	strace s4  }
0x96: {  	s4 =	sld [smem:$0x3FFD];
	_ =	sdelay $0x3  }
0x97: {  	_ =	strace s4  }
0x98: {  	_ =	strace $0x8FFFFFFF  }
0x99: {  	s19 =	sld [smem:$0x3FDB];
	_ =	sdelay $0x1  }
0x9a: {  	s5 =	simm.s32 $_scs_section_size  }
0x9b: {  	s6 =	simm.s32 $_size__tile_overlayer_lowered;
	s7 =	simm.s32 $_tile_overlayer_lowered  }
0x9c: {  	s22 =	simm.s32 $0x1BFF;
	s21 =	sshll.u32 s7, $0x1;
	s4 =	sadd.s32 s5, s19  }
0x9d: {  	s8 =	simm.s32 $0x0;
	s20 =	sshll.u32 s6, $0x1;
	s6 =	sadd.s32 s21, s4  }
0x9e: {  	[timem:s8], [sflag:s22] =	dma.local [hbm:s6], s20  }
0x9f: {  	_ =	swait.ge [sflag:s22], s20  }
0xa0: {  	s5 =	ssub.s32 $0x0, s20;
	[sflag:s22] =	ssyncset.done $0x0  }
0xa1: {  	[sflag:s22] =	ssyncadd.s32 s5;
	_ =	sdelay $0x1  }
0xa2: {  	s23 =	simm.s32 $0x1B8B  }
0xa3: {  	_ =	swait.ge [sflag:s23], $0x1  }
0xa4: {  	[sflag:s23] =	ssyncset.done $0x0  }
0xa5: {  	s25 =	simm.s32 $0x1B8E;
	s24 =	sld [smem:$0x3FFE];
	[sflag:s23] =	ssyncadd.s32 $0xFFFFFFFF  }
0xa6: {  	s26 =	simm.s32 $execute0_lowered;
	[smem:$0x3FD2] =	sst s25  }
0xa7: {  	s6 =	sshll.u32 s26, $0x1;
	_ =	strace $0x80000046;
	[dreg:$0x1] =	wrdreg $0xFFFFFFFF  }
0xa8: {  	s28 =	simm.s32 $_size_execute0_lowered;
	s4 =	sadd.s32 s4, s6;
	[dreg:$0x0] =	wrdreg $0x0  }
0xa9: {  	s6 =	sshll.u32 s28, $0x1;
	[dreg:$0x2] =	wrdreg s4  }
0xaa: {  	[dreg:$0x3] =	wrdreg s6  }
0xab: {  	[dreg:$0x4] =	wrdreg $0xC0  }
0xac: {  	_ =	task [dreg:s8], $0x5FFFF  }
0xad: {  	[dreg:$0x1] =	wrdreg $0xFFFFFFFF  }
0xae: {  	[dreg:$0x0] =	wrdreg $0x60  }
0xaf: {  	[dreg:$0x2] =	wrdreg s24  }
0xb0: {  	[dreg:$0x3] =	wrdreg s2  }
0xb1: {  	[dreg:$0x4] =	wrdreg s18  }
0xb2: {  	[dreg:$0x5] =	wrdreg $0x9  }
0xb3: {  	_ =	task.clear_ibuf [dreg:s8], $0x6FFFF;
	_ =	strace $0x90000046  }
0xb4: {  	s29 =	simm.s32 $0x9;
	_ =	strace $0x80000048  }
0xb5: {  	_ =	swait.ge [sflag:s29], $0x1  }
0xb6: {  	[sflag:s29] =	ssyncadd.s32 $0xFFFFFFFF  }
0xb7: {  	_ =	strace $0x90000048  }
0xb8: {  	_ =	sfence  }
0xb9: {  	s30 =	sld [smem:$0x0];
	_ =	sdelay $0x2  }
0xba: {  	s31 =	sshll.u32 s1, $0xD;
	s1 =	sshrl.u32 s1, $0x2  }
0xbb: {  	s3 =	sand.u32 $0x4000, s31;
	s1 =	sadd.s32 s1, s30  }
0xbc: {  	s0 =	sor.u32 s3, s0;
	s1 =	sshll.u32 s1, $0x11  }
0xbd: {  	s0 =	sor.u32 s1, s0  }
0xbe: {  	s0 =	sadd.s32 $0x8F2B, s0  }
0xbf: {  	[sflag:s0] =	ssyncadd.remote.s32 $0x1  }
0xc0: {  	_ =	sfence.sel $0xFFFF  }
0xc1: {  	[dreg:$0x0] =	wrdreg $0xFFFFFFFF;
	(pc) =	sbr.abs _section_cstart, $3  }
0xc2: {  	[dreg:$0x1] =	wrdreg $0xFFFFFFFF  }
0xc3: {  	_ =	task.clear_ibuf [dreg:s8], $0x2FFFF;
	_ =	strace $0x9FFFFFFF  }
0xc4: {  	(tm) =	ssettm $0x7FFFFFFF  }
0xc5: {  	_ =	shalt  }
tec
execute0_lowered:
.L_overlay_start_1:
0x0: {  	(tag) =	ssettag $0x1  }
0x1: {  	s0 =	rddreg [dreg:$0x0]  }
0x2: {  	s2 =	rddreg [dreg:$0x1];
	s1 =	srdreg.scid  }
0x3: {  	s3 =	stileid.u32;
	s5 =	rddreg [dreg:$0x2];
	s9 =	simm.s32 $0x1C00  }
0x4: {  	s10 =	simm.s32 $0x5C00;
	s11 =	simm.s32 $0x1;
	s13 =	simm.s32 $0x9C00  }
0x5: {  	s14 =	simm.s32 $0x2;
	s17 =	simm.s32 $0xDC00;
	s18 =	simm.s32 $0x3  }
0x6: {  	s21 =	simm.s32 $0x11C00;
	s22 =	simm.s32 $0x4;
	s24 =	simm.s32 $0x6  }
0x7: {  	s26 =	simm.s32 $0x5;
	s29 =	simm.s32 $0x7;
	s31 =	simm.s32 $0x8  }
0x8: {  	s12 =	simm.s32 $0x0;
	s1 =	sand.u32 $0x1, s1;
	s3 =	sshll.u32 s3, $0x1  }
0x9: {  	s4 =	sor.u32 s1, s3;
	s3 =	simm.s32 $0x0;
	s1 =	ssub.s32 $0x2, s1  }
0xa: {  	s6 =	smul.u32 $0x380, s4;
	[smem:$0x7FF] =	sst s3;
	s7 =	sshrl.u32 s1, $0x1  }
0xb: {  	s8 =	smul.u32 $0x19000, s4;
	_ =	strace $0x80000047;
	s1 =	ssub.s32 s1, s7  }
.Ltmp0:
0xc: {  	s7 =	simm.s32 $0xB;
	s0 =	sadd.s32 s6, s0;
	(pc) =	sbr.rel .LBB2_1-.Ltmp0, $4  }
0xd: {  	s5 =	sadd.s32 s5, s8;
	s30 =	smax.u32 s1, $0x1;
	s8 =	simm.s32 $0x80  }
0xe: {  	s1 =	simm.s32 $0x9;
	s0 =	sadd.s32 $0x400, s0;
	[dreg:$0x5] =	wrdreg s30  }
0xf: {  	s15 =	sadd.s32 $0x800, s5;
	s19 =	sadd.s32 $0x1000, s5;
	s23 =	sadd.s32 $0x1800, s5  }
0x10: {  	s28 =	sadd.s32 $0x2000, s5;
	[dreg:$0x4] =	wrdreg s0;
	s0 =	simm.s32 $0xA  }
.LBB2_4:
0x11: {  	_ =	swait.ge [sflag:s31], $0x4000  }
0x12: {  	[sflag:s31] =	ssyncset.done $0x0  }
0x13: {  	[sflag:s31] =	ssyncadd.s32 $0xFFFFC000  }
0x14: {  	_ =	swait.ge [sflag:s1], $0x4000  }
0x15: {  	[sflag:s1] =	ssyncset.done $0x0  }
0x16: {  	[sflag:s1] =	ssyncadd.s32 $0xFFFFC000  }
0x17: {  	_ =	swait.ge [sflag:s0], $0x4000  }
0x18: {  	s12 =	sadd.s32 $0x1, s12;
	s4 =	rddreg [dreg:$0x5]  }
0x19: {  	p0 =	sne.s32 s12, s4  }
.Ltmp1:
0x1a: {  	_ = 	snop;
	(pc) =	sbr.rel @!p0 .LBB2_5-.Ltmp1, $3  }
0x1b: {  	_ =	sdelay $0x1  }
0x1c: {  	[sflag:s0] =	ssyncset.done $0x0  }
0x1d: {  	[sflag:s0] =	ssyncadd.s32 $0xFFFFC000  }
.LBB2_1:
0x1e: {  	s4 =	rddreg [dreg:$0x4]  }
0x1f: {  	[tilespmem:s3], [sflag:$0xB] =	stream.linear.gather [hbm4b:s4+s3], $0x1900, $0x38;
	[tilespmem:$0x15C00] =	vst v63  }
0x20: {  	_ =	swait.ge [sflag:s7], $0x1900  }
0x21: {  	[sflag:s7] =	ssyncset.done $0x0  }
0x22: {  	[sflag:s7] =	ssyncadd.s32 $0xFFFFE700  }
0x23: {  	[tilespmem:s9], [sflag:$0x1] =	stream.indirect.gather [hbm4b:s2+s8], $0x80, s3, s8, $0xb8;
	[tilespmem:$0x15C00] =	vst v63  }
0x24: {  	_ = 	snop  }
0x25: {  	[tilespmem:s10], [sflag:$0x2] =	stream.indirect.gather [hbm4b:s2+s8], $0x80, s8, s8, $0xb8;
	[tilespmem:$0x15C00] =	vst v63  }
0x26: {  	_ =	swait.ge [sflag:s11], $0x4000  }
0x27: {  	[sflag:s11] =	ssyncset.done $0x0  }
0x28: {  	[sflag:s11] =	ssyncadd.s32 $0xFFFFC000  }
0x29: {  	[hbm4b:s5+s3] =	stream.linear.scatter [tilespmem:s9], [sflag:$0x6], $0x4000, $0x38;
	[tilespmem:$0x15C00] =	vst v63  }
0x2a: {  	s6 =	simm.s32 $0x100  }
0x2b: {  	[tilespmem:s13], [sflag:$0x3] =	stream.indirect.gather [hbm4b:s2+s8], $0x80, s6, s8, $0xb8;
	[tilespmem:$0x15C00] =	vst v63  }
0x2c: {  	_ =	swait.ge [sflag:s14], $0x4000  }
0x2d: {  	[sflag:s14] =	ssyncset.done $0x0  }
0x2e: {  	[sflag:s14] =	ssyncadd.s32 $0xFFFFC000  }
0x2f: {  	[hbm4b:s15+s3] =	stream.linear.scatter [tilespmem:s10], [sflag:$0x7], $0x4000, $0x38;
	[tilespmem:$0x15C00] =	vst v63  }
0x30: {  	s16 =	simm.s32 $0x180  }
0x31: {  	[tilespmem:s17], [sflag:$0x4] =	stream.indirect.gather [hbm4b:s2+s8], $0x80, s16, s8, $0xb8;
	[tilespmem:$0x15C00] =	vst v63  }
0x32: {  	_ =	swait.ge [sflag:s18], $0x4000  }
0x33: {  	[sflag:s18] =	ssyncset.done $0x0  }
0x34: {  	[sflag:s18] =	ssyncadd.s32 $0xFFFFC000  }
0x35: {  	[hbm4b:s19+s3] =	stream.linear.scatter [tilespmem:s13], [sflag:$0x8], $0x4000, $0x38;
	[tilespmem:$0x15C00] =	vst v63  }
0x36: {  	s20 =	simm.s32 $0x200  }
0x37: {  	[tilespmem:s21], [sflag:$0x5] =	stream.indirect.gather [hbm4b:s2+s8], $0x80, s20, s8, $0xb8;
	[tilespmem:$0x15C00] =	vst v63  }
0x38: {  	_ =	swait.ge [sflag:s22], $0x4000  }
0x39: {  	[sflag:s22] =	ssyncset.done $0x0  }
0x3a: {  	[sflag:s22] =	ssyncadd.s32 $0xFFFFC000  }
0x3b: {  	[hbm4b:s23+s3] =	stream.linear.scatter [tilespmem:s17], [sflag:$0x9], $0x4000, $0x38;
	[tilespmem:$0x15C00] =	vst v63  }
0x3c: {  	_ =	swait.ge [sflag:s24], $0x4000  }
0x3d: {  	[sflag:s24] =	ssyncset.done $0x0  }
0x3e: {  	s25 =	simm.s32 $0x280;
	[sflag:s24] =	ssyncadd.s32 $0xFFFFC000  }
0x3f: {  	[tilespmem:s9], [sflag:$0x1] =	stream.indirect.gather [hbm4b:s2+s8], $0x80, s25, s8, $0xb8;
	[tilespmem:$0x15C00] =	vst v63  }
0x40: {  	_ =	swait.ge [sflag:s26], $0x4000  }
0x41: {  	[sflag:s26] =	ssyncset.done $0x0  }
0x42: {  	[sflag:s26] =	ssyncadd.s32 $0xFFFFC000  }
0x43: {  	[hbm4b:s28+s3] =	stream.linear.scatter [tilespmem:s21], [sflag:$0xA], $0x4000, $0x38;
	[tilespmem:$0x15C00] =	vst v63  }
0x44: {  	_ =	swait.ge [sflag:s29], $0x4000  }
0x45: {  	s30 =	simm.s32 $0x300;
	[sflag:s29] =	ssyncset.done $0x0  }
0x46: {  	s16 =	sadd.s32 $0x4800, s5;
	s20 =	simm.s32 $0x0;
	[sflag:s29] =	ssyncadd.s32 $0xFFFFC000  }
0x47: {  	[tilespmem:s10], [sflag:$0x2] =	stream.indirect.gather [hbm4b:s2+s8], $0x80, s30, s8, $0xb8;
	[tilespmem:$0x15C00] =	vst v63  }
.LBB2_2:
0x48: {  	_ =	swait.ge [sflag:s11], $0x4000  }
0x49: {  	[sflag:s11] =	ssyncset.done $0x0  }
0x4a: {  	s25 =	sadd.s32 $0xFFFFE000, s16;
	[sflag:s11] =	ssyncadd.s32 $0xFFFFC000  }
0x4b: {  	[hbm4b:s25+s3] =	stream.linear.scatter [tilespmem:s9], [sflag:$0x6], $0x4000, $0x38;
	[tilespmem:$0x15C00] =	vst v63  }
0x4c: {  	_ =	swait.ge [sflag:s31], $0x4000  }
0x4d: {  	s25 =	sshra.s32 s20, $0x2;
	[sflag:s31] =	ssyncset.done $0x0  }
0x4e: {  	s30 =	sadd.s32 $0x380, s25;
	[sflag:s31] =	ssyncadd.s32 $0xFFFFC000  }
0x4f: {  	[tilespmem:s13], [sflag:$0x3] =	stream.indirect.gather [hbm4b:s2+s8], $0x80, s30, s8, $0xb8;
	[tilespmem:$0x15C00] =	vst v63  }
0x50: {  	_ =	swait.ge [sflag:s14], $0x4000  }
0x51: {  	[sflag:s14] =	ssyncset.done $0x0  }
0x52: {  	s6 =	sadd.s32 $0xFFFFE800, s16;
	[sflag:s14] =	ssyncadd.s32 $0xFFFFC000  }
0x53: {  	[hbm4b:s6+s3] =	stream.linear.scatter [tilespmem:s10], [sflag:$0x7], $0x4000, $0x38;
	[tilespmem:$0x15C00] =	vst v63  }
0x54: {  	_ =	swait.ge [sflag:s1], $0x4000  }
0x55: {  	[sflag:s1] =	ssyncset.done $0x0  }
0x56: {  	s4 =	sadd.s32 $0x400, s25;
	[sflag:s1] =	ssyncadd.s32 $0xFFFFC000  }
0x57: {  	[tilespmem:s17], [sflag:$0x4] =	stream.indirect.gather [hbm4b:s2+s8], $0x80, s4, s8, $0xb8;
	[tilespmem:$0x15C00] =	vst v63  }
0x58: {  	_ =	swait.ge [sflag:s18], $0x4000  }
0x59: {  	[sflag:s18] =	ssyncset.done $0x0  }
0x5a: {  	s6 =	sadd.s32 $0xFFFFF000, s16;
	[sflag:s18] =	ssyncadd.s32 $0xFFFFC000  }
0x5b: {  	[hbm4b:s6+s3] =	stream.linear.scatter [tilespmem:s13], [sflag:$0x8], $0x4000, $0x38;
	[tilespmem:$0x15C00] =	vst v63  }
0x5c: {  	_ =	swait.ge [sflag:s0], $0x4000  }
0x5d: {  	[sflag:s0] =	ssyncset.done $0x0  }
0x5e: {  	s4 =	sadd.s32 $0x480, s25;
	[sflag:s0] =	ssyncadd.s32 $0xFFFFC000  }
0x5f: {  	[tilespmem:s21], [sflag:$0x5] =	stream.indirect.gather [hbm4b:s2+s8], $0x80, s4, s8, $0xb8;
	[tilespmem:$0x15C00] =	vst v63  }
0x60: {  	_ =	swait.ge [sflag:s22], $0x4000  }
0x61: {  	[sflag:s22] =	ssyncset.done $0x0  }
0x62: {  	p0 =	seq.s32 s20, $0x5000;
	s6 =	sadd.s32 $0xFFFFF800, s16;
	[sflag:s22] =	ssyncadd.s32 $0xFFFFC000  }
0x63: {  	[hbm4b:s6+s3] =	stream.linear.scatter [tilespmem:s17], [sflag:$0x9], $0x4000, $0x38;
	[tilespmem:$0x15C00] =	vst v63  }
0x64: {  	s30 =	sshra.s32 @!p0 s20, $0x2;
	_ =	swait.ge [sflag:s24], $0x4000  }
0x65: {  	s30 =	sadd.s32 @!p0 $0x500, s30;
	[sflag:s24] =	ssyncset.done $0x0  }
0x66: {  	s4 =	simm.s32 @!p0 $0x80;
	s6 =	simm.s32 @!p0 $0x1C00;
	[sflag:s24] =	ssyncadd.s32 $0xFFFFC000  }
0x67: {  	[tilespmem:s6], [sflag:$0x1] =	stream.indirect.gather @!p0 [hbm4b:s2+s4], $0x80, s30, s4, $0xb8;
	[tilespmem:$0x15C00] =	vst v63  }
0x68: {  	_ =	swait.ge [sflag:s26], $0x4000  }
0x69: {  	[sflag:s26] =	ssyncset.done $0x0  }
.Ltmp2:
0x6a: {  	[sflag:s26] =	ssyncadd.s32 $0xFFFFC000;
	(pc) =	sbr.rel @p0 .LBB2_4-.Ltmp2, $4  }
0x6b: {  	[hbm4b:s16+s3] =	stream.linear.scatter [tilespmem:s21], [sflag:$0xA], $0x4000, $0x38;
	[tilespmem:$0x15C00] =	vst v63  }
0x6c: {  	_ =	swait.ge [sflag:s29], $0x4000  }
0x6d: {  	[sflag:s29] =	ssyncset.done $0x0  }
0x6e: {  	[sflag:s29] =	ssyncadd.s32 $0xFFFFC000  }
.Ltmp3:
0x6f: {  	(pc) =	sbr.rel .LBB2_2-.Ltmp3, $3  }
0x70: {  	_ =	sdelay $0x1  }
0x71: {  	s4 =	sadd.s32 $0x580, s25;
	s20 =	sadd.s32 $0xA00, s20;
	s16 =	sadd.s32 $0x2800, s16  }
0x72: {  	[tilespmem:s10], [sflag:$0x2] =	stream.indirect.gather [hbm4b:s2+s8], $0x80, s4, s8, $0xb8;
	[tilespmem:$0x15C00] =	vst v63  }
.LBB2_5:
0x73: {  	_ =	sfence.sel $0x180000  }
0x74: {  	[bflag:$0x0] =	sbarrier.arrive $0xFFFF  }
0x75: {  	_ =	strace $0x90000047  }
0x76: {  	s0 =	stileid.u32;
	[bflag:$0x2] =	sbarrier.arrive $0xFFFF  }
0x77: {  	p0 =	sne.s32 s0, $0x0;
	s0 =	rddreg [dreg:$0x3]  }
0x78: {  	s0 =	sadd.s32 @!p0 $0x100000, s0  }
0x79: {  	[sflag:s0] =	ssyncadd.tile.s32 @!p0 $0x1;
	_ =	shalt  }
.Lfunc_end2:
_tile_overlayer_lowered:
.L_overlay_start_2:
0x7a: {  	(tag) =	ssettag $0x2  }
0x7b: {  	s0 =	rddreg [dreg:$0x0];
	s2 =	stileid.u32  }
0x7c: {  	s1 =	rddreg [dreg:$0x1];
	p0 =	sne.s32 s2, $0x0  }
0x7d: {  	s3 =	rddreg [dreg:$0x2];
	[bflag:$0x3] =	sbarrier.arrive $0xFFFF;
	s2 =	simm.s32 @!p0 $0x1C0B  }
0x7e: {  	[timem:s3], [sflag:s2] =	dma.local @!p0 [hbm:s0], s1  }
0x7f: {  	s0 =	simm.s32 @!p0 $0xB  }
0x80: {  	_ =	swait.ge @!p0 [sflag:s0], s1  }
0x81: {  	s1 =	ssub.s32 @!p0 $0x0, s1;
	[sflag:s0] =	ssyncset.done @!p0 $0x0  }
0x82: {  	[sflag:s0] =	ssyncadd.s32 @!p0 s1  }
0x83: {  	[bflag:$0x3] =	sbarrier.arrive $0xFFFF  }
0x84: {  	_ =	shalt  }

</sc_bundles>
